<compile_context>
chip_gen: v7x
topology: tpu7x:2x2x1
jax: 0.10.2.dev20260603
libtpu: 0.0.44.dev20260713+nightly
codegen_flags: <defaults>
</compile_context>

<pallas_src>
import jax
import jax.numpy as jnp
from jax import lax
from jax.experimental import pallas as pl
from jax.experimental.pallas import tpu as pltpu
from jax.experimental.pallas import tpu_sc as plsc

NC, NS = 2, 16
NW = NC * NS
CHUNK = 80
NBUF = 5
SP = 5
LEAD = 4


def _gather_body(ids_hbm, table_hbm, out_hbm, idx_v, rows_v, sp_v, *sems):
    gsem, wsem, dsem = sems[:NBUF], sems[NBUF : 2 * NBUF], sems[2 * NBUF :]
    wid = lax.axis_index("s") * NC + lax.axis_index("c")
    sid = lax.axis_index("s")
    per_w = ids_hbm.shape[0] // NW
    steps = per_w // CHUNK
    nout = steps // NBUF
    base = wid * per_w
    pltpu.sync_copy(ids_hbm.at[pl.ds(base, per_w)], idx_v)

    def g_copy(i, b):
        off = pl.multiple_of(i * CHUNK, 8)
        return pltpu.make_async_copy(
            table_hbm.at[idx_v.at[pl.ds(off, CHUNK)]], rows_v.at[b], gsem[b]
        )

    def w_copy(i, b, c):
        return pltpu.make_async_copy(rows_v.at[b], sp_v.at[sid, c], wsem[b])

    def d_copy(i, c):
        off = pl.multiple_of(i * CHUNK, 8)
        return pltpu.make_async_copy(
            sp_v.at[sid, c], out_hbm.at[pl.ds(base + off, CHUNK)], dsem[c]
        )

    def step(i, b, c, wait_d, wait_w, do_g):
        g_copy(i, b).wait()
        if wait_d:
            d_copy(i - SP, c).wait()
        w_copy(i, b, c).start()
        if wait_w:
            w_copy(i - 1, (b - 1) % NBUF, (c - 1) % SP).wait()
            d_copy(i - 1, (c - 1) % SP).start()
        if do_g:
            g_copy(i + LEAD, (b + LEAD) % NBUF).start()

    for b in range(LEAD):
        g_copy(b, b).start()

    for b in range(NBUF):
        step(b, b, b % SP, b >= SP, b >= 1, True)

    def outer(o, carry):
        for b in range(NBUF):
            i = o * NBUF + b
            step(i, b, b % SP, True, True, True)
        return carry

    lax.fori_loop(1, nout - 1, outer, 0)

    for b in range(NBUF):
        i = (nout - 1) * NBUF + b
        step(i, b, b % SP, True, True, i + LEAD < steps)

    last = steps - 1
    w_copy(last, last % NBUF, last % SP).wait()
    d_copy(last, last % SP).start()
    for k in range(SP - 1, -1, -1):
        d_copy(last - k, (last - k) % SP).wait()


def kernel(input_ids, word_embeddings):
    B, L = input_ids.shape
    V, D = word_embeddings.shape
    total = B * L
    ids = input_ids.reshape(total).astype(jnp.int32)
    per_w = total // NW

    mesh = plsc.VectorSubcoreMesh(core_axis_name="c", subcore_axis_name="s")
    k = pl.kernel(
        _gather_body,
        mesh=mesh,
        out_type=jax.ShapeDtypeStruct((total, D), jnp.float32),
        scratch_types=[
            pltpu.VMEM((per_w,), jnp.int32),
            pltpu.VMEM((NBUF, CHUNK, D), jnp.float32),
            pltpu.VMEM_SHARED((NS, SP, CHUNK, D), jnp.float32),
        ] + [pltpu.SemaphoreType.DMA] * (2 * NBUF + SP),
    )
    out = k(ids, word_embeddings)
    return out.reshape(B, L, D)

# --- scband reference (transcript-rebuilt; emitter-appended) ---
"""Pipeline reference for scband-ribonanza-net-embeddings-17325898072623 (READ-ONLY COPY).

The authoritative reference and input builder live on the scoring server;
editing this copy changes nothing except your own understanding.
"""

import jax, jax.numpy as jnp
import numpy as np

VOCAB = 100000
HIDDEN = 128
PAD_ID = 0
B, L = 4096, 200


def setup_inputs(seed: int = 0) -> dict:
    key = jax.random.key(seed)
    k_ids, k_tab = jax.random.split(key)
    input_ids = jax.random.randint(k_ids, (B, L), 0, VOCAB, dtype=jnp.int64 if jax.config.jax_enable_x64 else jnp.int32)
    word_embeddings = jax.random.normal(k_tab, (VOCAB, HIDDEN), dtype=jnp.float32)
    # padding_idx row initialized to zeros (nn.Embedding with padding_idx)
    word_embeddings = word_embeddings.at[PAD_ID].set(0.0)
    return {"input_ids": input_ids, "word_embeddings": word_embeddings}


def reference(input_ids, word_embeddings):
    # RibonanzaNetEmbeddings.forward with inputs_embeds=None:
    # inputs_embeds = self.word_embeddings(input_ids)
    inputs_embeds = jnp.take(word_embeddings, input_ids, axis=0)
    return inputs_embeds

if __name__ == "__main__":
    import jax
    _d = setup_inputs()
    print(jax.jit(kernel)(*tuple(_d.values())))

</pallas_src>

<mosaic_0001>
#map = affine_map<(d0, d1) -> (0)>
#map1 = affine_map<(d0, d1) -> (0, 0)>
module attributes {stable_mosaic.version = 14 : i64} {
  func.func @_gather_body(%arg0: i32, %arg1: i32, %arg2: memref<819200xi32, #tpu.memory_space<hbm>>, %arg3: memref<100000x128xf32, #tpu.memory_space<hbm>>, %arg4: memref<819200x128xf32, #tpu.memory_space<hbm>>, %arg5: memref<25600xi32, #tpu.memory_space<vmem>>, %arg6: memref<5x80x128xf32, #tpu.memory_space<vmem>>, %arg7: memref<16x5x80x128xf32, #tpu.memory_space<vmem_shared>>, %arg8: memref<!tpu.dma_semaphore, #tpu.memory_space<semaphore_mem>>, %arg9: memref<!tpu.dma_semaphore, #tpu.memory_space<semaphore_mem>>, %arg10: memref<!tpu.dma_semaphore, #tpu.memory_space<semaphore_mem>>, %arg11: memref<!tpu.dma_semaphore, #tpu.memory_space<semaphore_mem>>, %arg12: memref<!tpu.dma_semaphore, #tpu.memory_space<semaphore_mem>>, %arg13: memref<!tpu.dma_semaphore, #tpu.memory_space<semaphore_mem>>, %arg14: memref<!tpu.dma_semaphore, #tpu.memory_space<semaphore_mem>>, %arg15: memref<!tpu.dma_semaphore, #tpu.memory_space<semaphore_mem>>, %arg16: memref<!tpu.dma_semaphore, #tpu.memory_space<semaphore_mem>>, %arg17: memref<!tpu.dma_semaphore, #tpu.memory_space<semaphore_mem>>, %arg18: memref<!tpu.dma_semaphore, #tpu.memory_space<semaphore_mem>>, %arg19: memref<!tpu.dma_semaphore, #tpu.memory_space<semaphore_mem>>, %arg20: memref<!tpu.dma_semaphore, #tpu.memory_space<semaphore_mem>>, %arg21: memref<!tpu.dma_semaphore, #tpu.memory_space<semaphore_mem>>, %arg22: memref<!tpu.dma_semaphore, #tpu.memory_space<semaphore_mem>>) attributes {dimension_semantics = [#tpu.dimension_semantics<core_parallel>, #tpu.dimension_semantics<subcore_parallel>], iteration_bounds = array<i64: 2, 16>, scalar_prefetch = 0 : i64, scratch_operands = 18 : i64, tpu.core_type = #tpu.core_type<sc_vector_subcore>, window_params = [{transform_indices = #map}, {transform_indices = #map1}, {transform_indices = #map1}]} {
    %mul3A = arith.constant 2 : i32
    %mul3A_0 = arith.muli %arg1, %mul3A : i32
    %add3A = arith.addi %mul3A_0, %arg0 : i32
    %mul3A_1 = arith.constant 25600 : i32
    %mul3A_2 = arith.muli %add3A, %mul3A_1 : i32
    "tpu.region"() ({
      %run_scoped3A = tpu.sem_alloc : memref<!tpu.dma_semaphore, #tpu.memory_space<semaphore_mem>>
      %dma_start3A_785 = tpu.memref_slice %arg2[%mul3A_2] : memref<819200xi32, #tpu.memory_space<hbm>> -> memref<25600xi32, #tpu.memory_space<hbm>>
      %dma_start3A_786 = tpu.memref_slice %arg2[%mul3A_2] : memref<819200xi32, #tpu.memory_space<hbm>> -> memref<25600xi32, #tpu.memory_space<hbm>>
      tpu.enqueue_dma source(%dma_start3A_786 : memref<25600xi32, #tpu.memory_space<hbm>>) target(%arg5 : memref<25600xi32, #tpu.memory_space<vmem>>) target_semaphore(%run_scoped3A : memref<!tpu.dma_semaphore, #tpu.memory_space<semaphore_mem>>)
      %dma_wait3A_787 = tpu.memref_slice %arg2[%mul3A_2] : memref<819200xi32, #tpu.memory_space<hbm>> -> memref<25600xi32, #tpu.memory_space<hbm>>
      %dma_wait3A_788 = tpu.memref_slice %arg2[%mul3A_2] : memref<819200xi32, #tpu.memory_space<hbm>> -> memref<25600xi32, #tpu.memory_space<hbm>>
      tpu.wait_dma2 semaphore(%run_scoped3A : memref<!tpu.dma_semaphore, #tpu.memory_space<semaphore_mem>>) src(%dma_wait3A_788 : memref<25600xi32, #tpu.memory_space<hbm>>) dst(%arg5 : memref<25600xi32, #tpu.memory_space<vmem>>)
      tpu.yield
    }) : () -> ()
    %multiple_of3A = arith.constant 0 : i32
    %multiple_of3A_3 = tpu.assume_multiple %multiple_of3A, 8 : i32
    %dma_start3A = arith.constant 0 : i32
    %dma_start3A_4 = arith.constant 0 : i32
    %dma_start3A_5 = arith.constant 0 : i32
    %dma_start3A_6 = tpu.memref_slice %arg6[%dma_start3A, %dma_start3A_4, %dma_start3A_5] : memref<5x80x128xf32, #tpu.memory_space<vmem>> -> memref<1x80x128xf32, #tpu.memory_space<vmem>>
    %dma_start3A_7 = tpu.memref_squeeze %dma_start3A_6 : memref<1x80x128xf32, #tpu.memory_space<vmem>> -> memref<80x128xf32, #tpu.memory_space<vmem>>
    %dma_start3A_8 = tpu.memref_slice %arg5[%multiple_of3A_3] : memref<25600xi32, #tpu.memory_space<vmem>> -> memref<80xi32, #tpu.memory_space<vmem>>
    %dma_start3A_9 = arith.constant 0 : i32
    %dma_start3A_10 = arith.constant 0 : i32
    %dma_start3A_11 = tpu.memref_slice %arg3[%dma_start3A_9, %dma_start3A_10] : memref<100000x128xf32, #tpu.memory_space<hbm>> -> memref<100000x128xf32, #tpu.memory_space<hbm>>
    tpu.enqueue_indirect_dma source(%dma_start3A_11 : memref<100000x128xf32, #tpu.memory_space<hbm>>) target(%dma_start3A_7 : memref<80x128xf32, #tpu.memory_space<vmem>>) offsets(%dma_start3A_8 : memref<80xi32, #tpu.memory_space<vmem>>) semaphore(%arg8 : memref<!tpu.dma_semaphore, #tpu.memory_space<semaphore_mem>>)
    %multiple_of3A_12 = arith.constant 80 : i32
    %multiple_of3A_13 = tpu.assume_multiple %multiple_of3A_12, 8 : i32
    %dma_start3A_14 = arith.constant 1 : i32
    %dma_start3A_15 = arith.constant 0 : i32
    %dma_start3A_16 = arith.constant 0 : i32
    %dma_start3A_17 = tpu.memref_slice %arg6[%dma_start3A_14, %dma_start3A_15, %dma_start3A_16] : memref<5x80x128xf32, #tpu.memory_space<vmem>> -> memref<1x80x128xf32, #tpu.memory_space<vmem>>
    %dma_start3A_18 = tpu.memref_squeeze %dma_start3A_17 : memref<1x80x128xf32, #tpu.memory_space<vmem>> -> memref<80x128xf32, #tpu.memory_space<vmem>>
    %dma_start3A_19 = tpu.memref_slice %arg5[%multiple_of3A_13] : memref<25600xi32, #tpu.memory_space<vmem>> -> memref<80xi32, #tpu.memory_space<vmem>>
    %dma_start3A_20 = arith.constant 0 : i32
    %dma_start3A_21 = arith.constant 0 : i32
    %dma_start3A_22 = tpu.memref_slice %arg3[%dma_start3A_20, %dma_start3A_21] : memref<100000x128xf32, #tpu.memory_space<hbm>> -> memref<100000x128xf32, #tpu.memory_space<hbm>>
    tpu.enqueue_indirect_dma source(%dma_start3A_22 : memref<100000x128xf32, #tpu.memory_space<hbm>>) target(%dma_start3A_18 : memref<80x128xf32, #tpu.memory_space<vmem>>) offsets(%dma_start3A_19 : memref<80xi32, #tpu.memory_space<vmem>>) semaphore(%arg9 : memref<!tpu.dma_semaphore, #tpu.memory_space<semaphore_mem>>)
    %multiple_of3A_23 = arith.constant 160 : i32
    %multiple_of3A_24 = tpu.assume_multiple %multiple_of3A_23, 8 : i32
    %dma_start3A_25 = arith.constant 2 : i32
    %dma_start3A_26 = arith.constant 0 : i32
    %dma_start3A_27 = arith.constant 0 : i32
    %dma_start3A_28 = tpu.memref_slice %arg6[%dma_start3A_25, %dma_start3A_26, %dma_start3A_27] : memref<5x80x128xf32, #tpu.memory_space<vmem>> -> memref<1x80x128xf32, #tpu.memory_space<vmem>>
    %dma_start3A_29 = tpu.memref_squeeze %dma_start3A_28 : memref<1x80x128xf32, #tpu.memory_space<vmem>> -> memref<80x128xf32, #tpu.memory_space<vmem>>
    %dma_start3A_30 = tpu.memref_slice %arg5[%multiple_of3A_24] : memref<25600xi32, #tpu.memory_space<vmem>> -> memref<80xi32, #tpu.memory_space<vmem>>
    %dma_start3A_31 = arith.constant 0 : i32
    %dma_start3A_32 = arith.constant 0 : i32
    %dma_start3A_33 = tpu.memref_slice %arg3[%dma_start3A_31, %dma_start3A_32] : memref<100000x128xf32, #tpu.memory_space<hbm>> -> memref<100000x128xf32, #tpu.memory_space<hbm>>
    tpu.enqueue_indirect_dma source(%dma_start3A_33 : memref<100000x128xf32, #tpu.memory_space<hbm>>) target(%dma_start3A_29 : memref<80x128xf32, #tpu.memory_space<vmem>>) offsets(%dma_start3A_30 : memref<80xi32, #tpu.memory_space<vmem>>) semaphore(%arg10 : memref<!tpu.dma_semaphore, #tpu.memory_space<semaphore_mem>>)
    %multiple_of3A_34 = arith.constant 240 : i32
    %multiple_of3A_35 = tpu.assume_multiple %multiple_of3A_34, 8 : i32
    %dma_start3A_36 = arith.constant 3 : i32
    %dma_start3A_37 = arith.constant 0 : i32
    %dma_start3A_38 = arith.constant 0 : i32
    %dma_start3A_39 = tpu.memref_slice %arg6[%dma_start3A_36, %dma_start3A_37, %dma_start3A_38] : memref<5x80x128xf32, #tpu.memory_space<vmem>> -> memref<1x80x128xf32, #tpu.memory_space<vmem>>
    %dma_start3A_40 = tpu.memref_squeeze %dma_start3A_39 : memref<1x80x128xf32, #tpu.memory_space<vmem>> -> memref<80x128xf32, #tpu.memory_space<vmem>>
    %dma_start3A_41 = tpu.memref_slice %arg5[%multiple_of3A_35] : memref<25600xi32, #tpu.memory_space<vmem>> -> memref<80xi32, #tpu.memory_space<vmem>>
    %dma_start3A_42 = arith.constant 0 : i32
    %dma_start3A_43 = arith.constant 0 : i32
    %dma_start3A_44 = tpu.memref_slice %arg3[%dma_start3A_42, %dma_start3A_43] : memref<100000x128xf32, #tpu.memory_space<hbm>> -> memref<100000x128xf32, #tpu.memory_space<hbm>>
    tpu.enqueue_indirect_dma source(%dma_start3A_44 : memref<100000x128xf32, #tpu.memory_space<hbm>>) target(%dma_start3A_40 : memref<80x128xf32, #tpu.memory_space<vmem>>) offsets(%dma_start3A_41 : memref<80xi32, #tpu.memory_space<vmem>>) semaphore(%arg11 : memref<!tpu.dma_semaphore, #tpu.memory_space<semaphore_mem>>)
    %multiple_of3A_45 = arith.constant 0 : i32
    %multiple_of3A_46 = tpu.assume_multiple %multiple_of3A_45, 8 : i32
    %dma_wait3A = arith.constant 0 : i32
    %dma_wait3A_47 = arith.constant 0 : i32
    %dma_wait3A_48 = arith.constant 0 : i32
    %dma_wait3A_49 = tpu.memref_slice %arg6[%dma_wait3A, %dma_wait3A_47, %dma_wait3A_48] : memref<5x80x128xf32, #tpu.memory_space<vmem>> -> memref<1x80x128xf32, #tpu.memory_space<vmem>>
    %dma_wait3A_50 = tpu.memref_squeeze %dma_wait3A_49 : memref<1x80x128xf32, #tpu.memory_space<vmem>> -> memref<80x128xf32, #tpu.memory_space<vmem>>
    %dma_wait3A_51 = tpu.memref_slice %arg5[%multiple_of3A_46] : memref<25600xi32, #tpu.memory_space<vmem>> -> memref<80xi32, #tpu.memory_space<vmem>>
    %dma_wait3A_52 = arith.constant 0 : i32
    %dma_wait3A_53 = arith.constant 0 : i32
    %dma_wait3A_54 = tpu.memref_slice %arg3[%dma_wait3A_52, %dma_wait3A_53] : memref<100000x128xf32, #tpu.memory_space<hbm>> -> memref<100000x128xf32, #tpu.memory_space<hbm>>
    tpu.wait_indirect_dma semaphore(%arg8 : memref<!tpu.dma_semaphore, #tpu.memory_space<semaphore_mem>>) src(%dma_wait3A_54 : memref<100000x128xf32, #tpu.memory_space<hbm>>) dst(%dma_wait3A_50 : memref<80x128xf32, #tpu.memory_space<vmem>>)
    %dma_start3A_55 = arith.constant 0 : i32
    %dma_start3A_56 = arith.constant 0 : i32
    %dma_start3A_57 = arith.constant 0 : i32
    %dma_start3A_58 = arith.constant 0 : i32
    %dma_start3A_59 = tpu.memref_slice %arg6[%dma_start3A_55, %dma_start3A_57, %dma_start3A_58] : memref<5x80x128xf32, #tpu.memory_space<vmem>> -> memref<1x80x128xf32, #tpu.memory_space<vmem>>
    %dma_start3A_60 = tpu.memref_squeeze %dma_start3A_59 : memref<1x80x128xf32, #tpu.memory_space<vmem>> -> memref<80x128xf32, #tpu.memory_space<vmem>>
    %dma_start3A_61 = arith.constant 0 : i32
    %dma_start3A_62 = arith.constant 0 : i32
    %dma_start3A_63 = tpu.memref_slice %arg7[%arg1, %dma_start3A_56, %dma_start3A_61, %dma_start3A_62] : memref<16x5x80x128xf32, #tpu.memory_space<vmem_shared>> -> memref<1x1x80x128xf32, #tpu.memory_space<vmem_shared>>
    %dma_start3A_64 = tpu.memref_squeeze %dma_start3A_63 : memref<1x1x80x128xf32, #tpu.memory_space<vmem_shared>> -> memref<80x128xf32, #tpu.memory_space<vmem_shared>>
    %dma_start3A_65 = arith.constant 0 : i32
    %dma_start3A_66 = arith.constant 0 : i32
    %dma_start3A_67 = tpu.memref_slice %arg7[%arg1, %dma_start3A_56, %dma_start3A_65, %dma_start3A_66] : memref<16x5x80x128xf32, #tpu.memory_space<vmem_shared>> -> memref<1x1x80x128xf32, #tpu.memory_space<vmem_shared>>
    %dma_start3A_68 = tpu.memref_squeeze %dma_start3A_67 : memref<1x1x80x128xf32, #tpu.memory_space<vmem_shared>> -> memref<80x128xf32, #tpu.memory_space<vmem_shared>>
    %dma_start3A_69 = arith.constant 0 : i32
    %dma_start3A_70 = arith.constant 0 : i32
    %dma_start3A_71 = tpu.memref_slice %arg6[%dma_start3A_55, %dma_start3A_69, %dma_start3A_70] : memref<5x80x128xf32, #tpu.memory_space<vmem>> -> memref<1x80x128xf32, #tpu.memory_space<vmem>>
    %dma_start3A_72 = tpu.memref_squeeze %dma_start3A_71 : memref<1x80x128xf32, #tpu.memory_space<vmem>> -> memref<80x128xf32, #tpu.memory_space<vmem>>
    tpu.enqueue_dma source(%dma_start3A_72 : memref<80x128xf32, #tpu.memory_space<vmem>>) target(%dma_start3A_68 : memref<80x128xf32, #tpu.memory_space<vmem_shared>>) target_semaphore(%arg13 : memref<!tpu.dma_semaphore, #tpu.memory_space<semaphore_mem>>)
    %multiple_of3A_73 = arith.constant 320 : i32
    %multiple_of3A_74 = tpu.assume_multiple %multiple_of3A_73, 8 : i32
    %dma_start3A_75 = arith.constant 4 : i32
    %dma_start3A_76 = arith.constant 0 : i32
    %dma_start3A_77 = arith.constant 0 : i32
    %dma_start3A_78 = tpu.memref_slice %arg6[%dma_start3A_75, %dma_start3A_76, %dma_start3A_77] : memref<5x80x128xf32, #tpu.memory_space<vmem>> -> memref<1x80x128xf32, #tpu.memory_space<vmem>>
    %dma_start3A_79 = tpu.memref_squeeze %dma_start3A_78 : memref<1x80x128xf32, #tpu.memory_space<vmem>> -> memref<80x128xf32, #tpu.memory_space<vmem>>
    %dma_start3A_80 = tpu.memref_slice %arg5[%multiple_of3A_74] : memref<25600xi32, #tpu.memory_space<vmem>> -> memref<80xi32, #tpu.memory_space<vmem>>
    %dma_start3A_81 = arith.constant 0 : i32
    %dma_start3A_82 = arith.constant 0 : i32
    %dma_start3A_83 = tpu.memref_slice %arg3[%dma_start3A_81, %dma_start3A_82] : memref<100000x128xf32, #tpu.memory_space<hbm>> -> memref<100000x128xf32, #tpu.memory_space<hbm>>
    tpu.enqueue_indirect_dma source(%dma_start3A_83 : memref<100000x128xf32, #tpu.memory_space<hbm>>) target(%dma_start3A_79 : memref<80x128xf32, #tpu.memory_space<vmem>>) offsets(%dma_start3A_80 : memref<80xi32, #tpu.memory_space<vmem>>) semaphore(%arg12 : memref<!tpu.dma_semaphore, #tpu.memory_space<semaphore_mem>>)
    %multiple_of3A_84 = arith.constant 80 : i32
    %multiple_of3A_85 = tpu.assume_multiple %multiple_of3A_84, 8 : i32
    %dma_wait3A_86 = arith.constant 1 : i32
    %dma_wait3A_87 = arith.constant 0 : i32
    %dma_wait3A_88 = arith.constant 0 : i32
    %dma_wait3A_89 = tpu.memref_slice %arg6[%dma_wait3A_86, %dma_wait3A_87, %dma_wait3A_88] : memref<5x80x128xf32, #tpu.memory_space<vmem>> -> memref<1x80x128xf32, #tpu.memory_space<vmem>>
    %dma_wait3A_90 = tpu.memref_squeeze %dma_wait3A_89 : memref<1x80x128xf32, #tpu.memory_space<vmem>> -> memref<80x128xf32, #tpu.memory_space<vmem>>
    %dma_wait3A_91 = tpu.memref_slice %arg5[%multiple_of3A_85] : memref<25600xi32, #tpu.memory_space<vmem>> -> memref<80xi32, #tpu.memory_space<vmem>>
    %dma_wait3A_92 = arith.constant 0 : i32
    %dma_wait3A_93 = arith.constant 0 : i32
    %dma_wait3A_94 = tpu.memref_slice %arg3[%dma_wait3A_92, %dma_wait3A_93] : memref<100000x128xf32, #tpu.memory_space<hbm>> -> memref<100000x128xf32, #tpu.memory_space<hbm>>
    tpu.wait_indirect_dma semaphore(%arg9 : memref<!tpu.dma_semaphore, #tpu.memory_space<semaphore_mem>>) src(%dma_wait3A_94 : memref<100000x128xf32, #tpu.memory_space<hbm>>) dst(%dma_wait3A_90 : memref<80x128xf32, #tpu.memory_space<vmem>>)
    %dma_start3A_95 = arith.constant 1 : i32
    %dma_start3A_96 = arith.constant 1 : i32
    %dma_start3A_97 = arith.constant 0 : i32
    %dma_start3A_98 = arith.constant 0 : i32
    %dma_start3A_99 = tpu.memref_slice %arg6[%dma_start3A_95, %dma_start3A_97, %dma_start3A_98] : memref<5x80x128xf32, #tpu.memory_space<vmem>> -> memref<1x80x128xf32, #tpu.memory_space<vmem>>
    %dma_start3A_100 = tpu.memref_squeeze %dma_start3A_99 : memref<1x80x128xf32, #tpu.memory_space<vmem>> -> memref<80x128xf32, #tpu.memory_space<vmem>>
    %dma_start3A_101 = arith.constant 0 : i32
    %dma_start3A_102 = arith.constant 0 : i32
    %dma_start3A_103 = tpu.memref_slice %arg7[%arg1, %dma_start3A_96, %dma_start3A_101, %dma_start3A_102] : memref<16x5x80x128xf32, #tpu.memory_space<vmem_shared>> -> memref<1x1x80x128xf32, #tpu.memory_space<vmem_shared>>
    %dma_start3A_104 = tpu.memref_squeeze %dma_start3A_103 : memref<1x1x80x128xf32, #tpu.memory_space<vmem_shared>> -> memref<80x128xf32, #tpu.memory_space<vmem_shared>>
    %dma_start3A_105 = arith.constant 0 : i32
    %dma_start3A_106 = arith.constant 0 : i32
    %dma_start3A_107 = tpu.memref_slice %arg7[%arg1, %dma_start3A_96, %dma_start3A_105, %dma_start3A_106] : memref<16x5x80x128xf32, #tpu.memory_space<vmem_shared>> -> memref<1x1x80x128xf32, #tpu.memory_space<vmem_shared>>
    %dma_start3A_108 = tpu.memref_squeeze %dma_start3A_107 : memref<1x1x80x128xf32, #tpu.memory_space<vmem_shared>> -> memref<80x128xf32, #tpu.memory_space<vmem_shared>>
    %dma_start3A_109 = arith.constant 0 : i32
    %dma_start3A_110 = arith.constant 0 : i32
    %dma_start3A_111 = tpu.memref_slice %arg6[%dma_start3A_95, %dma_start3A_109, %dma_start3A_110] : memref<5x80x128xf32, #tpu.memory_space<vmem>> -> memref<1x80x128xf32, #tpu.memory_space<vmem>>
    %dma_start3A_112 = tpu.memref_squeeze %dma_start3A_111 : memref<1x80x128xf32, #tpu.memory_space<vmem>> -> memref<80x128xf32, #tpu.memory_space<vmem>>
    tpu.enqueue_dma source(%dma_start3A_112 : memref<80x128xf32, #tpu.memory_space<vmem>>) target(%dma_start3A_108 : memref<80x128xf32, #tpu.memory_space<vmem_shared>>) target_semaphore(%arg14 : memref<!tpu.dma_semaphore, #tpu.memory_space<semaphore_mem>>)
    %dma_wait3A_113 = arith.constant 0 : i32
    %dma_wait3A_114 = arith.constant 0 : i32
    %dma_wait3A_115 = arith.constant 0 : i32
    %dma_wait3A_116 = arith.constant 0 : i32
    %dma_wait3A_117 = tpu.memref_slice %arg6[%dma_wait3A_113, %dma_wait3A_115, %dma_wait3A_116] : memref<5x80x128xf32, #tpu.memory_space<vmem>> -> memref<1x80x128xf32, #tpu.memory_space<vmem>>
    %dma_wait3A_118 = tpu.memref_squeeze %dma_wait3A_117 : memref<1x80x128xf32, #tpu.memory_space<vmem>> -> memref<80x128xf32, #tpu.memory_space<vmem>>
    %dma_wait3A_119 = arith.constant 0 : i32
    %dma_wait3A_120 = arith.constant 0 : i32
    %dma_wait3A_121 = tpu.memref_slice %arg7[%arg1, %dma_wait3A_114, %dma_wait3A_119, %dma_wait3A_120] : memref<16x5x80x128xf32, #tpu.memory_space<vmem_shared>> -> memref<1x1x80x128xf32, #tpu.memory_space<vmem_shared>>
    %dma_wait3A_122 = tpu.memref_squeeze %dma_wait3A_121 : memref<1x1x80x128xf32, #tpu.memory_space<vmem_shared>> -> memref<80x128xf32, #tpu.memory_space<vmem_shared>>
    %dma_wait3A_123 = arith.constant 0 : i32
    %dma_wait3A_124 = arith.constant 0 : i32
    %dma_wait3A_125 = tpu.memref_slice %arg7[%arg1, %dma_wait3A_114, %dma_wait3A_123, %dma_wait3A_124] : memref<16x5x80x128xf32, #tpu.memory_space<vmem_shared>> -> memref<1x1x80x128xf32, #tpu.memory_space<vmem_shared>>
    %dma_wait3A_126 = tpu.memref_squeeze %dma_wait3A_125 : memref<1x1x80x128xf32, #tpu.memory_space<vmem_shared>> -> memref<80x128xf32, #tpu.memory_space<vmem_shared>>
    %dma_wait3A_127 = arith.constant 0 : i32
    %dma_wait3A_128 = arith.constant 0 : i32
    %dma_wait3A_129 = tpu.memref_slice %arg6[%dma_wait3A_113, %dma_wait3A_127, %dma_wait3A_128] : memref<5x80x128xf32, #tpu.memory_space<vmem>> -> memref<1x80x128xf32, #tpu.memory_space<vmem>>
    %dma_wait3A_130 = tpu.memref_squeeze %dma_wait3A_129 : memref<1x80x128xf32, #tpu.memory_space<vmem>> -> memref<80x128xf32, #tpu.memory_space<vmem>>
    tpu.wait_dma2 semaphore(%arg13 : memref<!tpu.dma_semaphore, #tpu.memory_space<semaphore_mem>>) src(%dma_wait3A_130 : memref<80x128xf32, #tpu.memory_space<vmem>>) dst(%dma_wait3A_126 : memref<80x128xf32, #tpu.memory_space<vmem_shared>>)
    %multiple_of3A_131 = arith.constant 0 : i32
    %multiple_of3A_132 = tpu.assume_multiple %multiple_of3A_131, 8 : i32
    %add3A_133 = arith.addi %mul3A_2, %multiple_of3A_132 : i32
    %dma_start3A_134 = arith.constant 0 : i32
    %dma_start3A_135 = arith.constant 0 : i32
    %dma_start3A_136 = tpu.memref_slice %arg4[%add3A_133, %dma_start3A_135] : memref<819200x128xf32, #tpu.memory_space<hbm>> -> memref<80x128xf32, #tpu.memory_space<hbm>>
    %dma_start3A_137 = arith.constant 0 : i32
    %dma_start3A_138 = arith.constant 0 : i32
    %dma_start3A_139 = tpu.memref_slice %arg7[%arg1, %dma_start3A_134, %dma_start3A_137, %dma_start3A_138] : memref<16x5x80x128xf32, #tpu.memory_space<vmem_shared>> -> memref<1x1x80x128xf32, #tpu.memory_space<vmem_shared>>
    %dma_start3A_140 = tpu.memref_squeeze %dma_start3A_139 : memref<1x1x80x128xf32, #tpu.memory_space<vmem_shared>> -> memref<80x128xf32, #tpu.memory_space<vmem_shared>>
    tpu.enqueue_dma source(%dma_start3A_140 : memref<80x128xf32, #tpu.memory_space<vmem_shared>>) target(%dma_start3A_136 : memref<80x128xf32, #tpu.memory_space<hbm>>) target_semaphore(%arg18 : memref<!tpu.dma_semaphore, #tpu.memory_space<semaphore_mem>>)
    %multiple_of3A_141 = arith.constant 400 : i32
    %multiple_of3A_142 = tpu.assume_multiple %multiple_of3A_141, 8 : i32
    %dma_start3A_143 = arith.constant 0 : i32
    %dma_start3A_144 = arith.constant 0 : i32
    %dma_start3A_145 = arith.constant 0 : i32
    %dma_start3A_146 = tpu.memref_slice %arg6[%dma_start3A_143, %dma_start3A_144, %dma_start3A_145] : memref<5x80x128xf32, #tpu.memory_space<vmem>> -> memref<1x80x128xf32, #tpu.memory_space<vmem>>
    %dma_start3A_147 = tpu.memref_squeeze %dma_start3A_146 : memref<1x80x128xf32, #tpu.memory_space<vmem>> -> memref<80x128xf32, #tpu.memory_space<vmem>>
    %dma_start3A_148 = tpu.memref_slice %arg5[%multiple_of3A_142] : memref<25600xi32, #tpu.memory_space<vmem>> -> memref<80xi32, #tpu.memory_space<vmem>>
    %dma_start3A_149 = arith.constant 0 : i32
    %dma_start3A_150 = arith.constant 0 : i32
    %dma_start3A_151 = tpu.memref_slice %arg3[%dma_start3A_149, %dma_start3A_150] : memref<100000x128xf32, #tpu.memory_space<hbm>> -> memref<100000x128xf32, #tpu.memory_space<hbm>>
    tpu.enqueue_indirect_dma source(%dma_start3A_151 : memref<100000x128xf32, #tpu.memory_space<hbm>>) target(%dma_start3A_147 : memref<80x128xf32, #tpu.memory_space<vmem>>) offsets(%dma_start3A_148 : memref<80xi32, #tpu.memory_space<vmem>>) semaphore(%arg8 : memref<!tpu.dma_semaphore, #tpu.memory_space<semaphore_mem>>)
    %multiple_of3A_152 = arith.constant 160 : i32
    %multiple_of3A_153 = tpu.assume_multiple %multiple_of3A_152, 8 : i32
    %dma_wait3A_154 = arith.constant 2 : i32
    %dma_wait3A_155 = arith.constant 0 : i32
    %dma_wait3A_156 = arith.constant 0 : i32
    %dma_wait3A_157 = tpu.memref_slice %arg6[%dma_wait3A_154, %dma_wait3A_155, %dma_wait3A_156] : memref<5x80x128xf32, #tpu.memory_space<vmem>> -> memref<1x80x128xf32, #tpu.memory_space<vmem>>
    %dma_wait3A_158 = tpu.memref_squeeze %dma_wait3A_157 : memref<1x80x128xf32, #tpu.memory_space<vmem>> -> memref<80x128xf32, #tpu.memory_space<vmem>>
    %dma_wait3A_159 = tpu.memref_slice %arg5[%multiple_of3A_153] : memref<25600xi32, #tpu.memory_space<vmem>> -> memref<80xi32, #tpu.memory_space<vmem>>
    %dma_wait3A_160 = arith.constant 0 : i32
    %dma_wait3A_161 = arith.constant 0 : i32
    %dma_wait3A_162 = tpu.memref_slice %arg3[%dma_wait3A_160, %dma_wait3A_161] : memref<100000x128xf32, #tpu.memory_space<hbm>> -> memref<100000x128xf32, #tpu.memory_space<hbm>>
    tpu.wait_indirect_dma semaphore(%arg10 : memref<!tpu.dma_semaphore, #tpu.memory_space<semaphore_mem>>) src(%dma_wait3A_162 : memref<100000x128xf32, #tpu.memory_space<hbm>>) dst(%dma_wait3A_158 : memref<80x128xf32, #tpu.memory_space<vmem>>)
    %dma_start3A_163 = arith.constant 2 : i32
    %dma_start3A_164 = arith.constant 2 : i32
    %dma_start3A_165 = arith.constant 0 : i32
    %dma_start3A_166 = arith.constant 0 : i32
    %dma_start3A_167 = tpu.memref_slice %arg6[%dma_start3A_163, %dma_start3A_165, %dma_start3A_166] : memref<5x80x128xf32, #tpu.memory_space<vmem>> -> memref<1x80x128xf32, #tpu.memory_space<vmem>>
    %dma_start3A_168 = tpu.memref_squeeze %dma_start3A_167 : memref<1x80x128xf32, #tpu.memory_space<vmem>> -> memref<80x128xf32, #tpu.memory_space<vmem>>
    %dma_start3A_169 = arith.constant 0 : i32
    %dma_start3A_170 = arith.constant 0 : i32
    %dma_start3A_171 = tpu.memref_slice %arg7[%arg1, %dma_start3A_164, %dma_start3A_169, %dma_start3A_170] : memref<16x5x80x128xf32, #tpu.memory_space<vmem_shared>> -> memref<1x1x80x128xf32, #tpu.memory_space<vmem_shared>>
    %dma_start3A_172 = tpu.memref_squeeze %dma_start3A_171 : memref<1x1x80x128xf32, #tpu.memory_space<vmem_shared>> -> memref<80x128xf32, #tpu.memory_space<vmem_shared>>
    %dma_start3A_173 = arith.constant 0 : i32
    %dma_start3A_174 = arith.constant 0 : i32
    %dma_start3A_175 = tpu.memref_slice %arg7[%arg1, %dma_start3A_164, %dma_start3A_173, %dma_start3A_174] : memref<16x5x80x128xf32, #tpu.memory_space<vmem_shared>> -> memref<1x1x80x128xf32, #tpu.memory_space<vmem_shared>>
    %dma_start3A_176 = tpu.memref_squeeze %dma_start3A_175 : memref<1x1x80x128xf32, #tpu.memory_space<vmem_shared>> -> memref<80x128xf32, #tpu.memory_space<vmem_shared>>
    %dma_start3A_177 = arith.constant 0 : i32
    %dma_start3A_178 = arith.constant 0 : i32
    %dma_start3A_179 = tpu.memref_slice %arg6[%dma_start3A_163, %dma_start3A_177, %dma_start3A_178] : memref<5x80x128xf32, #tpu.memory_space<vmem>> -> memref<1x80x128xf32, #tpu.memory_space<vmem>>
    %dma_start3A_180 = tpu.memref_squeeze %dma_start3A_179 : memref<1x80x128xf32, #tpu.memory_space<vmem>> -> memref<80x128xf32, #tpu.memory_space<vmem>>
    tpu.enqueue_dma source(%dma_start3A_180 : memref<80x128xf32, #tpu.memory_space<vmem>>) target(%dma_start3A_176 : memref<80x128xf32, #tpu.memory_space<vmem_shared>>) target_semaphore(%arg15 : memref<!tpu.dma_semaphore, #tpu.memory_space<semaphore_mem>>)
    %dma_wait3A_181 = arith.constant 1 : i32
    %dma_wait3A_182 = arith.constant 1 : i32
    %dma_wait3A_183 = arith.constant 0 : i32
    %dma_wait3A_184 = arith.constant 0 : i32
    %dma_wait3A_185 = tpu.memref_slice %arg6[%dma_wait3A_181, %dma_wait3A_183, %dma_wait3A_184] : memref<5x80x128xf32, #tpu.memory_space<vmem>> -> memref<1x80x128xf32, #tpu.memory_space<vmem>>
    %dma_wait3A_186 = tpu.memref_squeeze %dma_wait3A_185 : memref<1x80x128xf32, #tpu.memory_space<vmem>> -> memref<80x128xf32, #tpu.memory_space<vmem>>
    %dma_wait3A_187 = arith.constant 0 : i32
    %dma_wait3A_188 = arith.constant 0 : i32
    %dma_wait3A_189 = tpu.memref_slice %arg7[%arg1, %dma_wait3A_182, %dma_wait3A_187, %dma_wait3A_188] : memref<16x5x80x128xf32, #tpu.memory_space<vmem_shared>> -> memref<1x1x80x128xf32, #tpu.memory_space<vmem_shared>>
    %dma_wait3A_190 = tpu.memref_squeeze %dma_wait3A_189 : memref<1x1x80x128xf32, #tpu.memory_space<vmem_shared>> -> memref<80x128xf32, #tpu.memory_space<vmem_shared>>
    %dma_wait3A_191 = arith.constant 0 : i32
    %dma_wait3A_192 = arith.constant 0 : i32
    %dma_wait3A_193 = tpu.memref_slice %arg7[%arg1, %dma_wait3A_182, %dma_wait3A_191, %dma_wait3A_192] : memref<16x5x80x128xf32, #tpu.memory_space<vmem_shared>> -> memref<1x1x80x128xf32, #tpu.memory_space<vmem_shared>>
    %dma_wait3A_194 = tpu.memref_squeeze %dma_wait3A_193 : memref<1x1x80x128xf32, #tpu.memory_space<vmem_shared>> -> memref<80x128xf32, #tpu.memory_space<vmem_shared>>
    %dma_wait3A_195 = arith.constant 0 : i32
    %dma_wait3A_196 = arith.constant 0 : i32
    %dma_wait3A_197 = tpu.memref_slice %arg6[%dma_wait3A_181, %dma_wait3A_195, %dma_wait3A_196] : memref<5x80x128xf32, #tpu.memory_space<vmem>> -> memref<1x80x128xf32, #tpu.memory_space<vmem>>
    %dma_wait3A_198 = tpu.memref_squeeze %dma_wait3A_197 : memref<1x80x128xf32, #tpu.memory_space<vmem>> -> memref<80x128xf32, #tpu.memory_space<vmem>>
    tpu.wait_dma2 semaphore(%arg14 : memref<!tpu.dma_semaphore, #tpu.memory_space<semaphore_mem>>) src(%dma_wait3A_198 : memref<80x128xf32, #tpu.memory_space<vmem>>) dst(%dma_wait3A_194 : memref<80x128xf32, #tpu.memory_space<vmem_shared>>)
    %multiple_of3A_199 = arith.constant 80 : i32
    %multiple_of3A_200 = tpu.assume_multiple %multiple_of3A_199, 8 : i32
    %add3A_201 = arith.addi %mul3A_2, %multiple_of3A_200 : i32
    %dma_start3A_202 = arith.constant 1 : i32
    %dma_start3A_203 = arith.constant 0 : i32
    %dma_start3A_204 = tpu.memref_slice %arg4[%add3A_201, %dma_start3A_203] : memref<819200x128xf32, #tpu.memory_space<hbm>> -> memref<80x128xf32, #tpu.memory_space<hbm>>
    %dma_start3A_205 = arith.constant 0 : i32
    %dma_start3A_206 = arith.constant 0 : i32
    %dma_start3A_207 = tpu.memref_slice %arg7[%arg1, %dma_start3A_202, %dma_start3A_205, %dma_start3A_206] : memref<16x5x80x128xf32, #tpu.memory_space<vmem_shared>> -> memref<1x1x80x128xf32, #tpu.memory_space<vmem_shared>>
    %dma_start3A_208 = tpu.memref_squeeze %dma_start3A_207 : memref<1x1x80x128xf32, #tpu.memory_space<vmem_shared>> -> memref<80x128xf32, #tpu.memory_space<vmem_shared>>
    tpu.enqueue_dma source(%dma_start3A_208 : memref<80x128xf32, #tpu.memory_space<vmem_shared>>) target(%dma_start3A_204 : memref<80x128xf32, #tpu.memory_space<hbm>>) target_semaphore(%arg19 : memref<!tpu.dma_semaphore, #tpu.memory_space<semaphore_mem>>)
    %multiple_of3A_209 = arith.constant 480 : i32
    %multiple_of3A_210 = tpu.assume_multiple %multiple_of3A_209, 8 : i32
    %dma_start3A_211 = arith.constant 1 : i32
    %dma_start3A_212 = arith.constant 0 : i32
    %dma_start3A_213 = arith.constant 0 : i32
    %dma_start3A_214 = tpu.memref_slice %arg6[%dma_start3A_211, %dma_start3A_212, %dma_start3A_213] : memref<5x80x128xf32, #tpu.memory_space<vmem>> -> memref<1x80x128xf32, #tpu.memory_space<vmem>>
    %dma_start3A_215 = tpu.memref_squeeze %dma_start3A_214 : memref<1x80x128xf32, #tpu.memory_space<vmem>> -> memref<80x128xf32, #tpu.memory_space<vmem>>
    %dma_start3A_216 = tpu.memref_slice %arg5[%multiple_of3A_210] : memref<25600xi32, #tpu.memory_space<vmem>> -> memref<80xi32, #tpu.memory_space<vmem>>
    %dma_start3A_217 = arith.constant 0 : i32
    %dma_start3A_218 = arith.constant 0 : i32
    %dma_start3A_219 = tpu.memref_slice %arg3[%dma_start3A_217, %dma_start3A_218] : memref<100000x128xf32, #tpu.memory_space<hbm>> -> memref<100000x128xf32, #tpu.memory_space<hbm>>
    tpu.enqueue_indirect_dma source(%dma_start3A_219 : memref<100000x128xf32, #tpu.memory_space<hbm>>) target(%dma_start3A_215 : memref<80x128xf32, #tpu.memory_space<vmem>>) offsets(%dma_start3A_216 : memref<80xi32, #tpu.memory_space<vmem>>) semaphore(%arg9 : memref<!tpu.dma_semaphore, #tpu.memory_space<semaphore_mem>>)
    %multiple_of3A_220 = arith.constant 240 : i32
    %multiple_of3A_221 = tpu.assume_multiple %multiple_of3A_220, 8 : i32
    %dma_wait3A_222 = arith.constant 3 : i32
    %dma_wait3A_223 = arith.constant 0 : i32
    %dma_wait3A_224 = arith.constant 0 : i32
    %dma_wait3A_225 = tpu.memref_slice %arg6[%dma_wait3A_222, %dma_wait3A_223, %dma_wait3A_224] : memref<5x80x128xf32, #tpu.memory_space<vmem>> -> memref<1x80x128xf32, #tpu.memory_space<vmem>>
    %dma_wait3A_226 = tpu.memref_squeeze %dma_wait3A_225 : memref<1x80x128xf32, #tpu.memory_space<vmem>> -> memref<80x128xf32, #tpu.memory_space<vmem>>
    %dma_wait3A_227 = tpu.memref_slice %arg5[%multiple_of3A_221] : memref<25600xi32, #tpu.memory_space<vmem>> -> memref<80xi32, #tpu.memory_space<vmem>>
    %dma_wait3A_228 = arith.constant 0 : i32
    %dma_wait3A_229 = arith.constant 0 : i32
    %dma_wait3A_230 = tpu.memref_slice %arg3[%dma_wait3A_228, %dma_wait3A_229] : memref<100000x128xf32, #tpu.memory_space<hbm>> -> memref<100000x128xf32, #tpu.memory_space<hbm>>
    tpu.wait_indirect_dma semaphore(%arg11 : memref<!tpu.dma_semaphore, #tpu.memory_space<semaphore_mem>>) src(%dma_wait3A_230 : memref<100000x128xf32, #tpu.memory_space<hbm>>) dst(%dma_wait3A_226 : memref<80x128xf32, #tpu.memory_space<vmem>>)
    %dma_start3A_231 = arith.constant 3 : i32
    %dma_start3A_232 = arith.constant 3 : i32
    %dma_start3A_233 = arith.constant 0 : i32
    %dma_start3A_234 = arith.constant 0 : i32
    %dma_start3A_235 = tpu.memref_slice %arg6[%dma_start3A_231, %dma_start3A_233, %dma_start3A_234] : memref<5x80x128xf32, #tpu.memory_space<vmem>> -> memref<1x80x128xf32, #tpu.memory_space<vmem>>
    %dma_start3A_236 = tpu.memref_squeeze %dma_start3A_235 : memref<1x80x128xf32, #tpu.memory_space<vmem>> -> memref<80x128xf32, #tpu.memory_space<vmem>>
    %dma_start3A_237 = arith.constant 0 : i32
    %dma_start3A_238 = arith.constant 0 : i32
    %dma_start3A_239 = tpu.memref_slice %arg7[%arg1, %dma_start3A_232, %dma_start3A_237, %dma_start3A_238] : memref<16x5x80x128xf32, #tpu.memory_space<vmem_shared>> -> memref<1x1x80x128xf32, #tpu.memory_space<vmem_shared>>
    %dma_start3A_240 = tpu.memref_squeeze %dma_start3A_239 : memref<1x1x80x128xf32, #tpu.memory_space<vmem_shared>> -> memref<80x128xf32, #tpu.memory_space<vmem_shared>>
    %dma_start3A_241 = arith.constant 0 : i32
    %dma_start3A_242 = arith.constant 0 : i32
    %dma_start3A_243 = tpu.memref_slice %arg7[%arg1, %dma_start3A_232, %dma_start3A_241, %dma_start3A_242] : memref<16x5x80x128xf32, #tpu.memory_space<vmem_shared>> -> memref<1x1x80x128xf32, #tpu.memory_space<vmem_shared>>
    %dma_start3A_244 = tpu.memref_squeeze %dma_start3A_243 : memref<1x1x80x128xf32, #tpu.memory_space<vmem_shared>> -> memref<80x128xf32, #tpu.memory_space<vmem_shared>>
    %dma_start3A_245 = arith.constant 0 : i32
    %dma_start3A_246 = arith.constant 0 : i32
    %dma_start3A_247 = tpu.memref_slice %arg6[%dma_start3A_231, %dma_start3A_245, %dma_start3A_246] : memref<5x80x128xf32, #tpu.memory_space<vmem>> -> memref<1x80x128xf32, #tpu.memory_space<vmem>>
    %dma_start3A_248 = tpu.memref_squeeze %dma_start3A_247 : memref<1x80x128xf32, #tpu.memory_space<vmem>> -> memref<80x128xf32, #tpu.memory_space<vmem>>
    tpu.enqueue_dma source(%dma_start3A_248 : memref<80x128xf32, #tpu.memory_space<vmem>>) target(%dma_start3A_244 : memref<80x128xf32, #tpu.memory_space<vmem_shared>>) target_semaphore(%arg16 : memref<!tpu.dma_semaphore, #tpu.memory_space<semaphore_mem>>)
    %dma_wait3A_249 = arith.constant 2 : i32
    %dma_wait3A_250 = arith.constant 2 : i32
    %dma_wait3A_251 = arith.constant 0 : i32
    %dma_wait3A_252 = arith.constant 0 : i32
    %dma_wait3A_253 = tpu.memref_slice %arg6[%dma_wait3A_249, %dma_wait3A_251, %dma_wait3A_252] : memref<5x80x128xf32, #tpu.memory_space<vmem>> -> memref<1x80x128xf32, #tpu.memory_space<vmem>>
    %dma_wait3A_254 = tpu.memref_squeeze %dma_wait3A_253 : memref<1x80x128xf32, #tpu.memory_space<vmem>> -> memref<80x128xf32, #tpu.memory_space<vmem>>
    %dma_wait3A_255 = arith.constant 0 : i32
    %dma_wait3A_256 = arith.constant 0 : i32
    %dma_wait3A_257 = tpu.memref_slice %arg7[%arg1, %dma_wait3A_250, %dma_wait3A_255, %dma_wait3A_256] : memref<16x5x80x128xf32, #tpu.memory_space<vmem_shared>> -> memref<1x1x80x128xf32, #tpu.memory_space<vmem_shared>>
    %dma_wait3A_258 = tpu.memref_squeeze %dma_wait3A_257 : memref<1x1x80x128xf32, #tpu.memory_space<vmem_shared>> -> memref<80x128xf32, #tpu.memory_space<vmem_shared>>
    %dma_wait3A_259 = arith.constant 0 : i32
    %dma_wait3A_260 = arith.constant 0 : i32
    %dma_wait3A_261 = tpu.memref_slice %arg7[%arg1, %dma_wait3A_250, %dma_wait3A_259, %dma_wait3A_260] : memref<16x5x80x128xf32, #tpu.memory_space<vmem_shared>> -> memref<1x1x80x128xf32, #tpu.memory_space<vmem_shared>>
    %dma_wait3A_262 = tpu.memref_squeeze %dma_wait3A_261 : memref<1x1x80x128xf32, #tpu.memory_space<vmem_shared>> -> memref<80x128xf32, #tpu.memory_space<vmem_shared>>
    %dma_wait3A_263 = arith.constant 0 : i32
    %dma_wait3A_264 = arith.constant 0 : i32
    %dma_wait3A_265 = tpu.memref_slice %arg6[%dma_wait3A_249, %dma_wait3A_263, %dma_wait3A_264] : memref<5x80x128xf32, #tpu.memory_space<vmem>> -> memref<1x80x128xf32, #tpu.memory_space<vmem>>
    %dma_wait3A_266 = tpu.memref_squeeze %dma_wait3A_265 : memref<1x80x128xf32, #tpu.memory_space<vmem>> -> memref<80x128xf32, #tpu.memory_space<vmem>>
    tpu.wait_dma2 semaphore(%arg15 : memref<!tpu.dma_semaphore, #tpu.memory_space<semaphore_mem>>) src(%dma_wait3A_266 : memref<80x128xf32, #tpu.memory_space<vmem>>) dst(%dma_wait3A_262 : memref<80x128xf32, #tpu.memory_space<vmem_shared>>)
    %multiple_of3A_267 = arith.constant 160 : i32
    %multiple_of3A_268 = tpu.assume_multiple %multiple_of3A_267, 8 : i32
    %add3A_269 = arith.addi %mul3A_2, %multiple_of3A_268 : i32
    %dma_start3A_270 = arith.constant 2 : i32
    %dma_start3A_271 = arith.constant 0 : i32
    %dma_start3A_272 = tpu.memref_slice %arg4[%add3A_269, %dma_start3A_271] : memref<819200x128xf32, #tpu.memory_space<hbm>> -> memref<80x128xf32, #tpu.memory_space<hbm>>
    %dma_start3A_273 = arith.constant 0 : i32
    %dma_start3A_274 = arith.constant 0 : i32
    %dma_start3A_275 = tpu.memref_slice %arg7[%arg1, %dma_start3A_270, %dma_start3A_273, %dma_start3A_274] : memref<16x5x80x128xf32, #tpu.memory_space<vmem_shared>> -> memref<1x1x80x128xf32, #tpu.memory_space<vmem_shared>>
    %dma_start3A_276 = tpu.memref_squeeze %dma_start3A_275 : memref<1x1x80x128xf32, #tpu.memory_space<vmem_shared>> -> memref<80x128xf32, #tpu.memory_space<vmem_shared>>
    tpu.enqueue_dma source(%dma_start3A_276 : memref<80x128xf32, #tpu.memory_space<vmem_shared>>) target(%dma_start3A_272 : memref<80x128xf32, #tpu.memory_space<hbm>>) target_semaphore(%arg20 : memref<!tpu.dma_semaphore, #tpu.memory_space<semaphore_mem>>)
    %multiple_of3A_277 = arith.constant 560 : i32
    %multiple_of3A_278 = tpu.assume_multiple %multiple_of3A_277, 8 : i32
    %dma_start3A_279 = arith.constant 2 : i32
    %dma_start3A_280 = arith.constant 0 : i32
    %dma_start3A_281 = arith.constant 0 : i32
    %dma_start3A_282 = tpu.memref_slice %arg6[%dma_start3A_279, %dma_start3A_280, %dma_start3A_281] : memref<5x80x128xf32, #tpu.memory_space<vmem>> -> memref<1x80x128xf32, #tpu.memory_space<vmem>>
    %dma_start3A_283 = tpu.memref_squeeze %dma_start3A_282 : memref<1x80x128xf32, #tpu.memory_space<vmem>> -> memref<80x128xf32, #tpu.memory_space<vmem>>
    %dma_start3A_284 = tpu.memref_slice %arg5[%multiple_of3A_278] : memref<25600xi32, #tpu.memory_space<vmem>> -> memref<80xi32, #tpu.memory_space<vmem>>
    %dma_start3A_285 = arith.constant 0 : i32
    %dma_start3A_286 = arith.constant 0 : i32
    %dma_start3A_287 = tpu.memref_slice %arg3[%dma_start3A_285, %dma_start3A_286] : memref<100000x128xf32, #tpu.memory_space<hbm>> -> memref<100000x128xf32, #tpu.memory_space<hbm>>
    tpu.enqueue_indirect_dma source(%dma_start3A_287 : memref<100000x128xf32, #tpu.memory_space<hbm>>) target(%dma_start3A_283 : memref<80x128xf32, #tpu.memory_space<vmem>>) offsets(%dma_start3A_284 : memref<80xi32, #tpu.memory_space<vmem>>) semaphore(%arg10 : memref<!tpu.dma_semaphore, #tpu.memory_space<semaphore_mem>>)
    %multiple_of3A_288 = arith.constant 320 : i32
    %multiple_of3A_289 = tpu.assume_multiple %multiple_of3A_288, 8 : i32
    %dma_wait3A_290 = arith.constant 4 : i32
    %dma_wait3A_291 = arith.constant 0 : i32
    %dma_wait3A_292 = arith.constant 0 : i32
    %dma_wait3A_293 = tpu.memref_slice %arg6[%dma_wait3A_290, %dma_wait3A_291, %dma_wait3A_292] : memref<5x80x128xf32, #tpu.memory_space<vmem>> -> memref<1x80x128xf32, #tpu.memory_space<vmem>>
    %dma_wait3A_294 = tpu.memref_squeeze %dma_wait3A_293 : memref<1x80x128xf32, #tpu.memory_space<vmem>> -> memref<80x128xf32, #tpu.memory_space<vmem>>
    %dma_wait3A_295 = tpu.memref_slice %arg5[%multiple_of3A_289] : memref<25600xi32, #tpu.memory_space<vmem>> -> memref<80xi32, #tpu.memory_space<vmem>>
    %dma_wait3A_296 = arith.constant 0 : i32
    %dma_wait3A_297 = arith.constant 0 : i32
    %dma_wait3A_298 = tpu.memref_slice %arg3[%dma_wait3A_296, %dma_wait3A_297] : memref<100000x128xf32, #tpu.memory_space<hbm>> -> memref<100000x128xf32, #tpu.memory_space<hbm>>
    tpu.wait_indirect_dma semaphore(%arg12 : memref<!tpu.dma_semaphore, #tpu.memory_space<semaphore_mem>>) src(%dma_wait3A_298 : memref<100000x128xf32, #tpu.memory_space<hbm>>) dst(%dma_wait3A_294 : memref<80x128xf32, #tpu.memory_space<vmem>>)
    %dma_start3A_299 = arith.constant 4 : i32
    %dma_start3A_300 = arith.constant 4 : i32
    %dma_start3A_301 = arith.constant 0 : i32
    %dma_start3A_302 = arith.constant 0 : i32
    %dma_start3A_303 = tpu.memref_slice %arg6[%dma_start3A_299, %dma_start3A_301, %dma_start3A_302] : memref<5x80x128xf32, #tpu.memory_space<vmem>> -> memref<1x80x128xf32, #tpu.memory_space<vmem>>
    %dma_start3A_304 = tpu.memref_squeeze %dma_start3A_303 : memref<1x80x128xf32, #tpu.memory_space<vmem>> -> memref<80x128xf32, #tpu.memory_space<vmem>>
    %dma_start3A_305 = arith.constant 0 : i32
    %dma_start3A_306 = arith.constant 0 : i32
    %dma_start3A_307 = tpu.memref_slice %arg7[%arg1, %dma_start3A_300, %dma_start3A_305, %dma_start3A_306] : memref<16x5x80x128xf32, #tpu.memory_space<vmem_shared>> -> memref<1x1x80x128xf32, #tpu.memory_space<vmem_shared>>
    %dma_start3A_308 = tpu.memref_squeeze %dma_start3A_307 : memref<1x1x80x128xf32, #tpu.memory_space<vmem_shared>> -> memref<80x128xf32, #tpu.memory_space<vmem_shared>>
    %dma_start3A_309 = arith.constant 0 : i32
    %dma_start3A_310 = arith.constant 0 : i32
    %dma_start3A_311 = tpu.memref_slice %arg7[%arg1, %dma_start3A_300, %dma_start3A_309, %dma_start3A_310] : memref<16x5x80x128xf32, #tpu.memory_space<vmem_shared>> -> memref<1x1x80x128xf32, #tpu.memory_space<vmem_shared>>
    %dma_start3A_312 = tpu.memref_squeeze %dma_start3A_311 : memref<1x1x80x128xf32, #tpu.memory_space<vmem_shared>> -> memref<80x128xf32, #tpu.memory_space<vmem_shared>>
    %dma_start3A_313 = arith.constant 0 : i32
    %dma_start3A_314 = arith.constant 0 : i32
    %dma_start3A_315 = tpu.memref_slice %arg6[%dma_start3A_299, %dma_start3A_313, %dma_start3A_314] : memref<5x80x128xf32, #tpu.memory_space<vmem>> -> memref<1x80x128xf32, #tpu.memory_space<vmem>>
    %dma_start3A_316 = tpu.memref_squeeze %dma_start3A_315 : memref<1x80x128xf32, #tpu.memory_space<vmem>> -> memref<80x128xf32, #tpu.memory_space<vmem>>
    tpu.enqueue_dma source(%dma_start3A_316 : memref<80x128xf32, #tpu.memory_space<vmem>>) target(%dma_start3A_312 : memref<80x128xf32, #tpu.memory_space<vmem_shared>>) target_semaphore(%arg17 : memref<!tpu.dma_semaphore, #tpu.memory_space<semaphore_mem>>)
    %dma_wait3A_317 = arith.constant 3 : i32
    %dma_wait3A_318 = arith.constant 3 : i32
    %dma_wait3A_319 = arith.constant 0 : i32
    %dma_wait3A_320 = arith.constant 0 : i32
    %dma_wait3A_321 = tpu.memref_slice %arg6[%dma_wait3A_317, %dma_wait3A_319, %dma_wait3A_320] : memref<5x80x128xf32, #tpu.memory_space<vmem>> -> memref<1x80x128xf32, #tpu.memory_space<vmem>>
    %dma_wait3A_322 = tpu.memref_squeeze %dma_wait3A_321 : memref<1x80x128xf32, #tpu.memory_space<vmem>> -> memref<80x128xf32, #tpu.memory_space<vmem>>
    %dma_wait3A_323 = arith.constant 0 : i32
    %dma_wait3A_324 = arith.constant 0 : i32
    %dma_wait3A_325 = tpu.memref_slice %arg7[%arg1, %dma_wait3A_318, %dma_wait3A_323, %dma_wait3A_324] : memref<16x5x80x128xf32, #tpu.memory_space<vmem_shared>> -> memref<1x1x80x128xf32, #tpu.memory_space<vmem_shared>>
    %dma_wait3A_326 = tpu.memref_squeeze %dma_wait3A_325 : memref<1x1x80x128xf32, #tpu.memory_space<vmem_shared>> -> memref<80x128xf32, #tpu.memory_space<vmem_shared>>
    %dma_wait3A_327 = arith.constant 0 : i32
    %dma_wait3A_328 = arith.constant 0 : i32
    %dma_wait3A_329 = tpu.memref_slice %arg7[%arg1, %dma_wait3A_318, %dma_wait3A_327, %dma_wait3A_328] : memref<16x5x80x128xf32, #tpu.memory_space<vmem_shared>> -> memref<1x1x80x128xf32, #tpu.memory_space<vmem_shared>>
    %dma_wait3A_330 = tpu.memref_squeeze %dma_wait3A_329 : memref<1x1x80x128xf32, #tpu.memory_space<vmem_shared>> -> memref<80x128xf32, #tpu.memory_space<vmem_shared>>
    %dma_wait3A_331 = arith.constant 0 : i32
    %dma_wait3A_332 = arith.constant 0 : i32
    %dma_wait3A_333 = tpu.memref_slice %arg6[%dma_wait3A_317, %dma_wait3A_331, %dma_wait3A_332] : memref<5x80x128xf32, #tpu.memory_space<vmem>> -> memref<1x80x128xf32, #tpu.memory_space<vmem>>
    %dma_wait3A_334 = tpu.memref_squeeze %dma_wait3A_333 : memref<1x80x128xf32, #tpu.memory_space<vmem>> -> memref<80x128xf32, #tpu.memory_space<vmem>>
    tpu.wait_dma2 semaphore(%arg16 : memref<!tpu.dma_semaphore, #tpu.memory_space<semaphore_mem>>) src(%dma_wait3A_334 : memref<80x128xf32, #tpu.memory_space<vmem>>) dst(%dma_wait3A_330 : memref<80x128xf32, #tpu.memory_space<vmem_shared>>)
    %multiple_of3A_335 = arith.constant 240 : i32
    %multiple_of3A_336 = tpu.assume_multiple %multiple_of3A_335, 8 : i32
    %add3A_337 = arith.addi %mul3A_2, %multiple_of3A_336 : i32
    %dma_start3A_338 = arith.constant 3 : i32
    %dma_start3A_339 = arith.constant 0 : i32
    %dma_start3A_340 = tpu.memref_slice %arg4[%add3A_337, %dma_start3A_339] : memref<819200x128xf32, #tpu.memory_space<hbm>> -> memref<80x128xf32, #tpu.memory_space<hbm>>
    %dma_start3A_341 = arith.constant 0 : i32
    %dma_start3A_342 = arith.constant 0 : i32
    %dma_start3A_343 = tpu.memref_slice %arg7[%arg1, %dma_start3A_338, %dma_start3A_341, %dma_start3A_342] : memref<16x5x80x128xf32, #tpu.memory_space<vmem_shared>> -> memref<1x1x80x128xf32, #tpu.memory_space<vmem_shared>>
    %dma_start3A_344 = tpu.memref_squeeze %dma_start3A_343 : memref<1x1x80x128xf32, #tpu.memory_space<vmem_shared>> -> memref<80x128xf32, #tpu.memory_space<vmem_shared>>
    tpu.enqueue_dma source(%dma_start3A_344 : memref<80x128xf32, #tpu.memory_space<vmem_shared>>) target(%dma_start3A_340 : memref<80x128xf32, #tpu.memory_space<hbm>>) target_semaphore(%arg21 : memref<!tpu.dma_semaphore, #tpu.memory_space<semaphore_mem>>)
    %multiple_of3A_345 = arith.constant 640 : i32
    %multiple_of3A_346 = tpu.assume_multiple %multiple_of3A_345, 8 : i32
    %dma_start3A_347 = arith.constant 3 : i32
    %dma_start3A_348 = arith.constant 0 : i32
    %dma_start3A_349 = arith.constant 0 : i32
    %dma_start3A_350 = tpu.memref_slice %arg6[%dma_start3A_347, %dma_start3A_348, %dma_start3A_349] : memref<5x80x128xf32, #tpu.memory_space<vmem>> -> memref<1x80x128xf32, #tpu.memory_space<vmem>>
    %dma_start3A_351 = tpu.memref_squeeze %dma_start3A_350 : memref<1x80x128xf32, #tpu.memory_space<vmem>> -> memref<80x128xf32, #tpu.memory_space<vmem>>
    %dma_start3A_352 = tpu.memref_slice %arg5[%multiple_of3A_346] : memref<25600xi32, #tpu.memory_space<vmem>> -> memref<80xi32, #tpu.memory_space<vmem>>
    %dma_start3A_353 = arith.constant 0 : i32
    %dma_start3A_354 = arith.constant 0 : i32
    %dma_start3A_355 = tpu.memref_slice %arg3[%dma_start3A_353, %dma_start3A_354] : memref<100000x128xf32, #tpu.memory_space<hbm>> -> memref<100000x128xf32, #tpu.memory_space<hbm>>
    tpu.enqueue_indirect_dma source(%dma_start3A_355 : memref<100000x128xf32, #tpu.memory_space<hbm>>) target(%dma_start3A_351 : memref<80x128xf32, #tpu.memory_space<vmem>>) offsets(%dma_start3A_352 : memref<80xi32, #tpu.memory_space<vmem>>) semaphore(%arg11 : memref<!tpu.dma_semaphore, #tpu.memory_space<semaphore_mem>>)
    %scan3A = arith.constant 0 : i32
    %scan3A_356 = arith.constant 1 : i32
    %scan3A_357 = arith.constant 62 : i32
    %scan3A_358 = arith.addi %scan3A_356, %scan3A_357 : i32
    %scan3A_359 = arith.constant 1 : i32
    scf.for %scan3A_785 = %scan3A_356 to %scan3A_358 step %scan3A_359  : i32 {
      %mul3A_786 = arith.constant 5 : i32
      %mul3A_787 = arith.muli %scan3A_785, %mul3A_786 : i32
      %add3A_788 = arith.constant 0 : i32
      %add3A_789 = arith.addi %mul3A_787, %add3A_788 : i32
      %mul3A_790 = arith.constant 80 : i32
      %mul3A_791 = arith.muli %add3A_789, %mul3A_790 : i32
      %multiple_of3A_792 = tpu.assume_multiple %mul3A_791, 8 : i32
      %dma_wait3A_793 = arith.constant 0 : i32
      %dma_wait3A_794 = arith.constant 0 : i32
      %dma_wait3A_795 = arith.constant 0 : i32
      %dma_wait3A_796 = tpu.memref_slice %arg6[%dma_wait3A_793, %dma_wait3A_794, %dma_wait3A_795] : memref<5x80x128xf32, #tpu.memory_space<vmem>> -> memref<1x80x128xf32, #tpu.memory_space<vmem>>
      %dma_wait3A_797 = tpu.memref_squeeze %dma_wait3A_796 : memref<1x80x128xf32, #tpu.memory_space<vmem>> -> memref<80x128xf32, #tpu.memory_space<vmem>>
      %dma_wait3A_798 = tpu.memref_slice %arg5[%multiple_of3A_792] : memref<25600xi32, #tpu.memory_space<vmem>> -> memref<80xi32, #tpu.memory_space<vmem>>
      %dma_wait3A_799 = arith.constant 0 : i32
      %dma_wait3A_800 = arith.constant 0 : i32
      %dma_wait3A_801 = tpu.memref_slice %arg3[%dma_wait3A_799, %dma_wait3A_800] : memref<100000x128xf32, #tpu.memory_space<hbm>> -> memref<100000x128xf32, #tpu.memory_space<hbm>>
      tpu.wait_indirect_dma semaphore(%arg8 : memref<!tpu.dma_semaphore, #tpu.memory_space<semaphore_mem>>) src(%dma_wait3A_801 : memref<100000x128xf32, #tpu.memory_space<hbm>>) dst(%dma_wait3A_797 : memref<80x128xf32, #tpu.memory_space<vmem>>)
      %sub3A = arith.constant 5 : i32
      %sub3A_802 = arith.subi %add3A_789, %sub3A : i32
      %mul3A_803 = arith.constant 80 : i32
      %mul3A_804 = arith.muli %sub3A_802, %mul3A_803 : i32
      %multiple_of3A_805 = tpu.assume_multiple %mul3A_804, 8 : i32
      %add3A_806 = arith.addi %mul3A_2, %multiple_of3A_805 : i32
      %dma_wait3A_807 = arith.constant 0 : i32
      %dma_wait3A_808 = arith.constant 0 : i32
      %dma_wait3A_809 = tpu.memref_slice %arg4[%add3A_806, %dma_wait3A_808] : memref<819200x128xf32, #tpu.memory_space<hbm>> -> memref<80x128xf32, #tpu.memory_space<hbm>>
      %dma_wait3A_810 = arith.constant 0 : i32
      %dma_wait3A_811 = arith.constant 0 : i32
      %dma_wait3A_812 = tpu.memref_slice %arg7[%arg1, %dma_wait3A_807, %dma_wait3A_810, %dma_wait3A_811] : memref<16x5x80x128xf32, #tpu.memory_space<vmem_shared>> -> memref<1x1x80x128xf32, #tpu.memory_space<vmem_shared>>
      %dma_wait3A_813 = tpu.memref_squeeze %dma_wait3A_812 : memref<1x1x80x128xf32, #tpu.memory_space<vmem_shared>> -> memref<80x128xf32, #tpu.memory_space<vmem_shared>>
      tpu.wait_dma2 semaphore(%arg18 : memref<!tpu.dma_semaphore, #tpu.memory_space<semaphore_mem>>) src(%dma_wait3A_813 : memref<80x128xf32, #tpu.memory_space<vmem_shared>>) dst(%dma_wait3A_809 : memref<80x128xf32, #tpu.memory_space<hbm>>)
      %dma_start3A_814 = arith.constant 0 : i32
      %dma_start3A_815 = arith.constant 0 : i32
      %dma_start3A_816 = arith.constant 0 : i32
      %dma_start3A_817 = arith.constant 0 : i32
      %dma_start3A_818 = tpu.memref_slice %arg6[%dma_start3A_814, %dma_start3A_816, %dma_start3A_817] : memref<5x80x128xf32, #tpu.memory_space<vmem>> -> memref<1x80x128xf32, #tpu.memory_space<vmem>>
      %dma_start3A_819 = tpu.memref_squeeze %dma_start3A_818 : memref<1x80x128xf32, #tpu.memory_space<vmem>> -> memref<80x128xf32, #tpu.memory_space<vmem>>
      %dma_start3A_820 = arith.constant 0 : i32
      %dma_start3A_821 = arith.constant 0 : i32
      %dma_start3A_822 = tpu.memref_slice %arg7[%arg1, %dma_start3A_815, %dma_start3A_820, %dma_start3A_821] : memref<16x5x80x128xf32, #tpu.memory_space<vmem_shared>> -> memref<1x1x80x128xf32, #tpu.memory_space<vmem_shared>>
      %dma_start3A_823 = tpu.memref_squeeze %dma_start3A_822 : memref<1x1x80x128xf32, #tpu.memory_space<vmem_shared>> -> memref<80x128xf32, #tpu.memory_space<vmem_shared>>
      %dma_start3A_824 = arith.constant 0 : i32
      %dma_start3A_825 = arith.constant 0 : i32
      %dma_start3A_826 = tpu.memref_slice %arg7[%arg1, %dma_start3A_815, %dma_start3A_824, %dma_start3A_825] : memref<16x5x80x128xf32, #tpu.memory_space<vmem_shared>> -> memref<1x1x80x128xf32, #tpu.memory_space<vmem_shared>>
      %dma_start3A_827 = tpu.memref_squeeze %dma_start3A_826 : memref<1x1x80x128xf32, #tpu.memory_space<vmem_shared>> -> memref<80x128xf32, #tpu.memory_space<vmem_shared>>
      %dma_start3A_828 = arith.constant 0 : i32
      %dma_start3A_829 = arith.constant 0 : i32
      %dma_start3A_830 = tpu.memref_slice %arg6[%dma_start3A_814, %dma_start3A_828, %dma_start3A_829] : memref<5x80x128xf32, #tpu.memory_space<vmem>> -> memref<1x80x128xf32, #tpu.memory_space<vmem>>
      %dma_start3A_831 = tpu.memref_squeeze %dma_start3A_830 : memref<1x80x128xf32, #tpu.memory_space<vmem>> -> memref<80x128xf32, #tpu.memory_space<vmem>>
      tpu.enqueue_dma source(%dma_start3A_831 : memref<80x128xf32, #tpu.memory_space<vmem>>) target(%dma_start3A_827 : memref<80x128xf32, #tpu.memory_space<vmem_shared>>) target_semaphore(%arg13 : memref<!tpu.dma_semaphore, #tpu.memory_space<semaphore_mem>>)
      %sub3A_832 = arith.constant 1 : i32
      %sub3A_833 = arith.subi %add3A_789, %sub3A_832 : i32
      %dma_wait3A_834 = arith.constant 4 : i32
      %dma_wait3A_835 = arith.constant 4 : i32
      %dma_wait3A_836 = arith.constant 0 : i32
      %dma_wait3A_837 = arith.constant 0 : i32
      %dma_wait3A_838 = tpu.memref_slice %arg6[%dma_wait3A_834, %dma_wait3A_836, %dma_wait3A_837] : memref<5x80x128xf32, #tpu.memory_space<vmem>> -> memref<1x80x128xf32, #tpu.memory_space<vmem>>
      %dma_wait3A_839 = tpu.memref_squeeze %dma_wait3A_838 : memref<1x80x128xf32, #tpu.memory_space<vmem>> -> memref<80x128xf32, #tpu.memory_space<vmem>>
      %dma_wait3A_840 = arith.constant 0 : i32
      %dma_wait3A_841 = arith.constant 0 : i32
      %dma_wait3A_842 = tpu.memref_slice %arg7[%arg1, %dma_wait3A_835, %dma_wait3A_840, %dma_wait3A_841] : memref<16x5x80x128xf32, #tpu.memory_space<vmem_shared>> -> memref<1x1x80x128xf32, #tpu.memory_space<vmem_shared>>
      %dma_wait3A_843 = tpu.memref_squeeze %dma_wait3A_842 : memref<1x1x80x128xf32, #tpu.memory_space<vmem_shared>> -> memref<80x128xf32, #tpu.memory_space<vmem_shared>>
      %dma_wait3A_844 = arith.constant 0 : i32
      %dma_wait3A_845 = arith.constant 0 : i32
      %dma_wait3A_846 = tpu.memref_slice %arg7[%arg1, %dma_wait3A_835, %dma_wait3A_844, %dma_wait3A_845] : memref<16x5x80x128xf32, #tpu.memory_space<vmem_shared>> -> memref<1x1x80x128xf32, #tpu.memory_space<vmem_shared>>
      %dma_wait3A_847 = tpu.memref_squeeze %dma_wait3A_846 : memref<1x1x80x128xf32, #tpu.memory_space<vmem_shared>> -> memref<80x128xf32, #tpu.memory_space<vmem_shared>>
      %dma_wait3A_848 = arith.constant 0 : i32
      %dma_wait3A_849 = arith.constant 0 : i32
      %dma_wait3A_850 = tpu.memref_slice %arg6[%dma_wait3A_834, %dma_wait3A_848, %dma_wait3A_849] : memref<5x80x128xf32, #tpu.memory_space<vmem>> -> memref<1x80x128xf32, #tpu.memory_space<vmem>>
      %dma_wait3A_851 = tpu.memref_squeeze %dma_wait3A_850 : memref<1x80x128xf32, #tpu.memory_space<vmem>> -> memref<80x128xf32, #tpu.memory_space<vmem>>
      tpu.wait_dma2 semaphore(%arg17 : memref<!tpu.dma_semaphore, #tpu.memory_space<semaphore_mem>>) src(%dma_wait3A_851 : memref<80x128xf32, #tpu.memory_space<vmem>>) dst(%dma_wait3A_847 : memref<80x128xf32, #tpu.memory_space<vmem_shared>>)
      %sub3A_852 = arith.constant 1 : i32
      %sub3A_853 = arith.subi %add3A_789, %sub3A_852 : i32
      %mul3A_854 = arith.constant 80 : i32
      %mul3A_855 = arith.muli %sub3A_853, %mul3A_854 : i32
      %multiple_of3A_856 = tpu.assume_multiple %mul3A_855, 8 : i32
      %add3A_857 = arith.addi %mul3A_2, %multiple_of3A_856 : i32
      %dma_start3A_858 = arith.constant 4 : i32
      %dma_start3A_859 = arith.constant 0 : i32
      %dma_start3A_860 = tpu.memref_slice %arg4[%add3A_857, %dma_start3A_859] : memref<819200x128xf32, #tpu.memory_space<hbm>> -> memref<80x128xf32, #tpu.memory_space<hbm>>
      %dma_start3A_861 = arith.constant 0 : i32
      %dma_start3A_862 = arith.constant 0 : i32
      %dma_start3A_863 = tpu.memref_slice %arg7[%arg1, %dma_start3A_858, %dma_start3A_861, %dma_start3A_862] : memref<16x5x80x128xf32, #tpu.memory_space<vmem_shared>> -> memref<1x1x80x128xf32, #tpu.memory_space<vmem_shared>>
      %dma_start3A_864 = tpu.memref_squeeze %dma_start3A_863 : memref<1x1x80x128xf32, #tpu.memory_space<vmem_shared>> -> memref<80x128xf32, #tpu.memory_space<vmem_shared>>
      tpu.enqueue_dma source(%dma_start3A_864 : memref<80x128xf32, #tpu.memory_space<vmem_shared>>) target(%dma_start3A_860 : memref<80x128xf32, #tpu.memory_space<hbm>>) target_semaphore(%arg22 : memref<!tpu.dma_semaphore, #tpu.memory_space<semaphore_mem>>)
      %add3A_865 = arith.constant 4 : i32
      %add3A_866 = arith.addi %add3A_789, %add3A_865 : i32
      %mul3A_867 = arith.constant 80 : i32
      %mul3A_868 = arith.muli %add3A_866, %mul3A_867 : i32
      %multiple_of3A_869 = tpu.assume_multiple %mul3A_868, 8 : i32
      %dma_start3A_870 = arith.constant 4 : i32
      %dma_start3A_871 = arith.constant 0 : i32
      %dma_start3A_872 = arith.constant 0 : i32
      %dma_start3A_873 = tpu.memref_slice %arg6[%dma_start3A_870, %dma_start3A_871, %dma_start3A_872] : memref<5x80x128xf32, #tpu.memory_space<vmem>> -> memref<1x80x128xf32, #tpu.memory_space<vmem>>
      %dma_start3A_874 = tpu.memref_squeeze %dma_start3A_873 : memref<1x80x128xf32, #tpu.memory_space<vmem>> -> memref<80x128xf32, #tpu.memory_space<vmem>>
      %dma_start3A_875 = tpu.memref_slice %arg5[%multiple_of3A_869] : memref<25600xi32, #tpu.memory_space<vmem>> -> memref<80xi32, #tpu.memory_space<vmem>>
      %dma_start3A_876 = arith.constant 0 : i32
      %dma_start3A_877 = arith.constant 0 : i32
      %dma_start3A_878 = tpu.memref_slice %arg3[%dma_start3A_876, %dma_start3A_877] : memref<100000x128xf32, #tpu.memory_space<hbm>> -> memref<100000x128xf32, #tpu.memory_space<hbm>>
      tpu.enqueue_indirect_dma source(%dma_start3A_878 : memref<100000x128xf32, #tpu.memory_space<hbm>>) target(%dma_start3A_874 : memref<80x128xf32, #tpu.memory_space<vmem>>) offsets(%dma_start3A_875 : memref<80xi32, #tpu.memory_space<vmem>>) semaphore(%arg12 : memref<!tpu.dma_semaphore, #tpu.memory_space<semaphore_mem>>)
      %mul3A_879 = arith.constant 5 : i32
      %mul3A_880 = arith.muli %scan3A_785, %mul3A_879 : i32
      %add3A_881 = arith.constant 1 : i32
      %add3A_882 = arith.addi %mul3A_880, %add3A_881 : i32
      %mul3A_883 = arith.constant 80 : i32
      %mul3A_884 = arith.muli %add3A_882, %mul3A_883 : i32
      %multiple_of3A_885 = tpu.assume_multiple %mul3A_884, 8 : i32
      %dma_wait3A_886 = arith.constant 1 : i32
      %dma_wait3A_887 = arith.constant 0 : i32
      %dma_wait3A_888 = arith.constant 0 : i32
      %dma_wait3A_889 = tpu.memref_slice %arg6[%dma_wait3A_886, %dma_wait3A_887, %dma_wait3A_888] : memref<5x80x128xf32, #tpu.memory_space<vmem>> -> memref<1x80x128xf32, #tpu.memory_space<vmem>>
      %dma_wait3A_890 = tpu.memref_squeeze %dma_wait3A_889 : memref<1x80x128xf32, #tpu.memory_space<vmem>> -> memref<80x128xf32, #tpu.memory_space<vmem>>
      %dma_wait3A_891 = tpu.memref_slice %arg5[%multiple_of3A_885] : memref<25600xi32, #tpu.memory_space<vmem>> -> memref<80xi32, #tpu.memory_space<vmem>>
      %dma_wait3A_892 = arith.constant 0 : i32
      %dma_wait3A_893 = arith.constant 0 : i32
      %dma_wait3A_894 = tpu.memref_slice %arg3[%dma_wait3A_892, %dma_wait3A_893] : memref<100000x128xf32, #tpu.memory_space<hbm>> -> memref<100000x128xf32, #tpu.memory_space<hbm>>
      tpu.wait_indirect_dma semaphore(%arg9 : memref<!tpu.dma_semaphore, #tpu.memory_space<semaphore_mem>>) src(%dma_wait3A_894 : memref<100000x128xf32, #tpu.memory_space<hbm>>) dst(%dma_wait3A_890 : memref<80x128xf32, #tpu.memory_space<vmem>>)
      %sub3A_895 = arith.constant 5 : i32
      %sub3A_896 = arith.subi %add3A_882, %sub3A_895 : i32
      %mul3A_897 = arith.constant 80 : i32
      %mul3A_898 = arith.muli %sub3A_896, %mul3A_897 : i32
      %multiple_of3A_899 = tpu.assume_multiple %mul3A_898, 8 : i32
      %add3A_900 = arith.addi %mul3A_2, %multiple_of3A_899 : i32
      %dma_wait3A_901 = arith.constant 1 : i32
      %dma_wait3A_902 = arith.constant 0 : i32
      %dma_wait3A_903 = tpu.memref_slice %arg4[%add3A_900, %dma_wait3A_902] : memref<819200x128xf32, #tpu.memory_space<hbm>> -> memref<80x128xf32, #tpu.memory_space<hbm>>
      %dma_wait3A_904 = arith.constant 0 : i32
      %dma_wait3A_905 = arith.constant 0 : i32
      %dma_wait3A_906 = tpu.memref_slice %arg7[%arg1, %dma_wait3A_901, %dma_wait3A_904, %dma_wait3A_905] : memref<16x5x80x128xf32, #tpu.memory_space<vmem_shared>> -> memref<1x1x80x128xf32, #tpu.memory_space<vmem_shared>>
      %dma_wait3A_907 = tpu.memref_squeeze %dma_wait3A_906 : memref<1x1x80x128xf32, #tpu.memory_space<vmem_shared>> -> memref<80x128xf32, #tpu.memory_space<vmem_shared>>
      tpu.wait_dma2 semaphore(%arg19 : memref<!tpu.dma_semaphore, #tpu.memory_space<semaphore_mem>>) src(%dma_wait3A_907 : memref<80x128xf32, #tpu.memory_space<vmem_shared>>) dst(%dma_wait3A_903 : memref<80x128xf32, #tpu.memory_space<hbm>>)
      %dma_start3A_908 = arith.constant 1 : i32
      %dma_start3A_909 = arith.constant 1 : i32
      %dma_start3A_910 = arith.constant 0 : i32
      %dma_start3A_911 = arith.constant 0 : i32
      %dma_start3A_912 = tpu.memref_slice %arg6[%dma_start3A_908, %dma_start3A_910, %dma_start3A_911] : memref<5x80x128xf32, #tpu.memory_space<vmem>> -> memref<1x80x128xf32, #tpu.memory_space<vmem>>
      %dma_start3A_913 = tpu.memref_squeeze %dma_start3A_912 : memref<1x80x128xf32, #tpu.memory_space<vmem>> -> memref<80x128xf32, #tpu.memory_space<vmem>>
      %dma_start3A_914 = arith.constant 0 : i32
      %dma_start3A_915 = arith.constant 0 : i32
      %dma_start3A_916 = tpu.memref_slice %arg7[%arg1, %dma_start3A_909, %dma_start3A_914, %dma_start3A_915] : memref<16x5x80x128xf32, #tpu.memory_space<vmem_shared>> -> memref<1x1x80x128xf32, #tpu.memory_space<vmem_shared>>
      %dma_start3A_917 = tpu.memref_squeeze %dma_start3A_916 : memref<1x1x80x128xf32, #tpu.memory_space<vmem_shared>> -> memref<80x128xf32, #tpu.memory_space<vmem_shared>>
      %dma_start3A_918 = arith.constant 0 : i32
      %dma_start3A_919 = arith.constant 0 : i32
      %dma_start3A_920 = tpu.memref_slice %arg7[%arg1, %dma_start3A_909, %dma_start3A_918, %dma_start3A_919] : memref<16x5x80x128xf32, #tpu.memory_space<vmem_shared>> -> memref<1x1x80x128xf32, #tpu.memory_space<vmem_shared>>
      %dma_start3A_921 = tpu.memref_squeeze %dma_start3A_920 : memref<1x1x80x128xf32, #tpu.memory_space<vmem_shared>> -> memref<80x128xf32, #tpu.memory_space<vmem_shared>>
      %dma_start3A_922 = arith.constant 0 : i32
      %dma_start3A_923 = arith.constant 0 : i32
      %dma_start3A_924 = tpu.memref_slice %arg6[%dma_start3A_908, %dma_start3A_922, %dma_start3A_923] : memref<5x80x128xf32, #tpu.memory_space<vmem>> -> memref<1x80x128xf32, #tpu.memory_space<vmem>>
      %dma_start3A_925 = tpu.memref_squeeze %dma_start3A_924 : memref<1x80x128xf32, #tpu.memory_space<vmem>> -> memref<80x128xf32, #tpu.memory_space<vmem>>
      tpu.enqueue_dma source(%dma_start3A_925 : memref<80x128xf32, #tpu.memory_space<vmem>>) target(%dma_start3A_921 : memref<80x128xf32, #tpu.memory_space<vmem_shared>>) target_semaphore(%arg14 : memref<!tpu.dma_semaphore, #tpu.memory_space<semaphore_mem>>)
      %sub3A_926 = arith.constant 1 : i32
      %sub3A_927 = arith.subi %add3A_882, %sub3A_926 : i32
      %dma_wait3A_928 = arith.constant 0 : i32
      %dma_wait3A_929 = arith.constant 0 : i32
      %dma_wait3A_930 = arith.constant 0 : i32
      %dma_wait3A_931 = arith.constant 0 : i32
      %dma_wait3A_932 = tpu.memref_slice %arg6[%dma_wait3A_928, %dma_wait3A_930, %dma_wait3A_931] : memref<5x80x128xf32, #tpu.memory_space<vmem>> -> memref<1x80x128xf32, #tpu.memory_space<vmem>>
      %dma_wait3A_933 = tpu.memref_squeeze %dma_wait3A_932 : memref<1x80x128xf32, #tpu.memory_space<vmem>> -> memref<80x128xf32, #tpu.memory_space<vmem>>
      %dma_wait3A_934 = arith.constant 0 : i32
      %dma_wait3A_935 = arith.constant 0 : i32
      %dma_wait3A_936 = tpu.memref_slice %arg7[%arg1, %dma_wait3A_929, %dma_wait3A_934, %dma_wait3A_935] : memref<16x5x80x128xf32, #tpu.memory_space<vmem_shared>> -> memref<1x1x80x128xf32, #tpu.memory_space<vmem_shared>>
      %dma_wait3A_937 = tpu.memref_squeeze %dma_wait3A_936 : memref<1x1x80x128xf32, #tpu.memory_space<vmem_shared>> -> memref<80x128xf32, #tpu.memory_space<vmem_shared>>
      %dma_wait3A_938 = arith.constant 0 : i32
      %dma_wait3A_939 = arith.constant 0 : i32
      %dma_wait3A_940 = tpu.memref_slice %arg7[%arg1, %dma_wait3A_929, %dma_wait3A_938, %dma_wait3A_939] : memref<16x5x80x128xf32, #tpu.memory_space<vmem_shared>> -> memref<1x1x80x128xf32, #tpu.memory_space<vmem_shared>>
      %dma_wait3A_941 = tpu.memref_squeeze %dma_wait3A_940 : memref<1x1x80x128xf32, #tpu.memory_space<vmem_shared>> -> memref<80x128xf32, #tpu.memory_space<vmem_shared>>
      %dma_wait3A_942 = arith.constant 0 : i32
      %dma_wait3A_943 = arith.constant 0 : i32
      %dma_wait3A_944 = tpu.memref_slice %arg6[%dma_wait3A_928, %dma_wait3A_942, %dma_wait3A_943] : memref<5x80x128xf32, #tpu.memory_space<vmem>> -> memref<1x80x128xf32, #tpu.memory_space<vmem>>
      %dma_wait3A_945 = tpu.memref_squeeze %dma_wait3A_944 : memref<1x80x128xf32, #tpu.memory_space<vmem>> -> memref<80x128xf32, #tpu.memory_space<vmem>>
      tpu.wait_dma2 semaphore(%arg13 : memref<!tpu.dma_semaphore, #tpu.memory_space<semaphore_mem>>) src(%dma_wait3A_945 : memref<80x128xf32, #tpu.memory_space<vmem>>) dst(%dma_wait3A_941 : memref<80x128xf32, #tpu.memory_space<vmem_shared>>)
      %sub3A_946 = arith.constant 1 : i32
      %sub3A_947 = arith.subi %add3A_882, %sub3A_946 : i32
      %mul3A_948 = arith.constant 80 : i32
      %mul3A_949 = arith.muli %sub3A_947, %mul3A_948 : i32
      %multiple_of3A_950 = tpu.assume_multiple %mul3A_949, 8 : i32
      %add3A_951 = arith.addi %mul3A_2, %multiple_of3A_950 : i32
      %dma_start3A_952 = arith.constant 0 : i32
      %dma_start3A_953 = arith.constant 0 : i32
      %dma_start3A_954 = tpu.memref_slice %arg4[%add3A_951, %dma_start3A_953] : memref<819200x128xf32, #tpu.memory_space<hbm>> -> memref<80x128xf32, #tpu.memory_space<hbm>>
      %dma_start3A_955 = arith.constant 0 : i32
      %dma_start3A_956 = arith.constant 0 : i32
      %dma_start3A_957 = tpu.memref_slice %arg7[%arg1, %dma_start3A_952, %dma_start3A_955, %dma_start3A_956] : memref<16x5x80x128xf32, #tpu.memory_space<vmem_shared>> -> memref<1x1x80x128xf32, #tpu.memory_space<vmem_shared>>
      %dma_start3A_958 = tpu.memref_squeeze %dma_start3A_957 : memref<1x1x80x128xf32, #tpu.memory_space<vmem_shared>> -> memref<80x128xf32, #tpu.memory_space<vmem_shared>>
      tpu.enqueue_dma source(%dma_start3A_958 : memref<80x128xf32, #tpu.memory_space<vmem_shared>>) target(%dma_start3A_954 : memref<80x128xf32, #tpu.memory_space<hbm>>) target_semaphore(%arg18 : memref<!tpu.dma_semaphore, #tpu.memory_space<semaphore_mem>>)
      %add3A_959 = arith.constant 4 : i32
      %add3A_960 = arith.addi %add3A_882, %add3A_959 : i32
      %mul3A_961 = arith.constant 80 : i32
      %mul3A_962 = arith.muli %add3A_960, %mul3A_961 : i32
      %multiple_of3A_963 = tpu.assume_multiple %mul3A_962, 8 : i32
      %dma_start3A_964 = arith.constant 0 : i32
      %dma_start3A_965 = arith.constant 0 : i32
      %dma_start3A_966 = arith.constant 0 : i32
      %dma_start3A_967 = tpu.memref_slice %arg6[%dma_start3A_964, %dma_start3A_965, %dma_start3A_966] : memref<5x80x128xf32, #tpu.memory_space<vmem>> -> memref<1x80x128xf32, #tpu.memory_space<vmem>>
      %dma_start3A_968 = tpu.memref_squeeze %dma_start3A_967 : memref<1x80x128xf32, #tpu.memory_space<vmem>> -> memref<80x128xf32, #tpu.memory_space<vmem>>
      %dma_start3A_969 = tpu.memref_slice %arg5[%multiple_of3A_963] : memref<25600xi32, #tpu.memory_space<vmem>> -> memref<80xi32, #tpu.memory_space<vmem>>
      %dma_start3A_970 = arith.constant 0 : i32
      %dma_start3A_971 = arith.constant 0 : i32
      %dma_start3A_972 = tpu.memref_slice %arg3[%dma_start3A_970, %dma_start3A_971] : memref<100000x128xf32, #tpu.memory_space<hbm>> -> memref<100000x128xf32, #tpu.memory_space<hbm>>
      tpu.enqueue_indirect_dma source(%dma_start3A_972 : memref<100000x128xf32, #tpu.memory_space<hbm>>) target(%dma_start3A_968 : memref<80x128xf32, #tpu.memory_space<vmem>>) offsets(%dma_start3A_969 : memref<80xi32, #tpu.memory_space<vmem>>) semaphore(%arg8 : memref<!tpu.dma_semaphore, #tpu.memory_space<semaphore_mem>>)
      %mul3A_973 = arith.constant 5 : i32
      %mul3A_974 = arith.muli %scan3A_785, %mul3A_973 : i32
      %add3A_975 = arith.constant 2 : i32
      %add3A_976 = arith.addi %mul3A_974, %add3A_975 : i32
      %mul3A_977 = arith.constant 80 : i32
      %mul3A_978 = arith.muli %add3A_976, %mul3A_977 : i32
      %multiple_of3A_979 = tpu.assume_multiple %mul3A_978, 8 : i32
      %dma_wait3A_980 = arith.constant 2 : i32
      %dma_wait3A_981 = arith.constant 0 : i32
      %dma_wait3A_982 = arith.constant 0 : i32
      %dma_wait3A_983 = tpu.memref_slice %arg6[%dma_wait3A_980, %dma_wait3A_981, %dma_wait3A_982] : memref<5x80x128xf32, #tpu.memory_space<vmem>> -> memref<1x80x128xf32, #tpu.memory_space<vmem>>
      %dma_wait3A_984 = tpu.memref_squeeze %dma_wait3A_983 : memref<1x80x128xf32, #tpu.memory_space<vmem>> -> memref<80x128xf32, #tpu.memory_space<vmem>>
      %dma_wait3A_985 = tpu.memref_slice %arg5[%multiple_of3A_979] : memref<25600xi32, #tpu.memory_space<vmem>> -> memref<80xi32, #tpu.memory_space<vmem>>
      %dma_wait3A_986 = arith.constant 0 : i32
      %dma_wait3A_987 = arith.constant 0 : i32
      %dma_wait3A_988 = tpu.memref_slice %arg3[%dma_wait3A_986, %dma_wait3A_987] : memref<100000x128xf32, #tpu.memory_space<hbm>> -> memref<100000x128xf32, #tpu.memory_space<hbm>>
      tpu.wait_indirect_dma semaphore(%arg10 : memref<!tpu.dma_semaphore, #tpu.memory_space<semaphore_mem>>) src(%dma_wait3A_988 : memref<100000x128xf32, #tpu.memory_space<hbm>>) dst(%dma_wait3A_984 : memref<80x128xf32, #tpu.memory_space<vmem>>)
      %sub3A_989 = arith.constant 5 : i32
      %sub3A_990 = arith.subi %add3A_976, %sub3A_989 : i32
      %mul3A_991 = arith.constant 80 : i32
      %mul3A_992 = arith.muli %sub3A_990, %mul3A_991 : i32
      %multiple_of3A_993 = tpu.assume_multiple %mul3A_992, 8 : i32
      %add3A_994 = arith.addi %mul3A_2, %multiple_of3A_993 : i32
      %dma_wait3A_995 = arith.constant 2 : i32
      %dma_wait3A_996 = arith.constant 0 : i32
      %dma_wait3A_997 = tpu.memref_slice %arg4[%add3A_994, %dma_wait3A_996] : memref<819200x128xf32, #tpu.memory_space<hbm>> -> memref<80x128xf32, #tpu.memory_space<hbm>>
      %dma_wait3A_998 = arith.constant 0 : i32
      %dma_wait3A_999 = arith.constant 0 : i32
      %dma_wait3A_1000 = tpu.memref_slice %arg7[%arg1, %dma_wait3A_995, %dma_wait3A_998, %dma_wait3A_999] : memref<16x5x80x128xf32, #tpu.memory_space<vmem_shared>> -> memref<1x1x80x128xf32, #tpu.memory_space<vmem_shared>>
      %dma_wait3A_1001 = tpu.memref_squeeze %dma_wait3A_1000 : memref<1x1x80x128xf32, #tpu.memory_space<vmem_shared>> -> memref<80x128xf32, #tpu.memory_space<vmem_shared>>
      tpu.wait_dma2 semaphore(%arg20 : memref<!tpu.dma_semaphore, #tpu.memory_space<semaphore_mem>>) src(%dma_wait3A_1001 : memref<80x128xf32, #tpu.memory_space<vmem_shared>>) dst(%dma_wait3A_997 : memref<80x128xf32, #tpu.memory_space<hbm>>)
      %dma_start3A_1002 = arith.constant 2 : i32
      %dma_start3A_1003 = arith.constant 2 : i32
      %dma_start3A_1004 = arith.constant 0 : i32
      %dma_start3A_1005 = arith.constant 0 : i32
      %dma_start3A_1006 = tpu.memref_slice %arg6[%dma_start3A_1002, %dma_start3A_1004, %dma_start3A_1005] : memref<5x80x128xf32, #tpu.memory_space<vmem>> -> memref<1x80x128xf32, #tpu.memory_space<vmem>>
      %dma_start3A_1007 = tpu.memref_squeeze %dma_start3A_1006 : memref<1x80x128xf32, #tpu.memory_space<vmem>> -> memref<80x128xf32, #tpu.memory_space<vmem>>
      %dma_start3A_1008 = arith.constant 0 : i32
      %dma_start3A_1009 = arith.constant 0 : i32
      %dma_start3A_1010 = tpu.memref_slice %arg7[%arg1, %dma_start3A_1003, %dma_start3A_1008, %dma_start3A_1009] : memref<16x5x80x128xf32, #tpu.memory_space<vmem_shared>> -> memref<1x1x80x128xf32, #tpu.memory_space<vmem_shared>>
      %dma_start3A_1011 = tpu.memref_squeeze %dma_start3A_1010 : memref<1x1x80x128xf32, #tpu.memory_space<vmem_shared>> -> memref<80x128xf32, #tpu.memory_space<vmem_shared>>
      %dma_start3A_1012 = arith.constant 0 : i32
      %dma_start3A_1013 = arith.constant 0 : i32
      %dma_start3A_1014 = tpu.memref_slice %arg7[%arg1, %dma_start3A_1003, %dma_start3A_1012, %dma_start3A_1013] : memref<16x5x80x128xf32, #tpu.memory_space<vmem_shared>> -> memref<1x1x80x128xf32, #tpu.memory_space<vmem_shared>>
      %dma_start3A_1015 = tpu.memref_squeeze %dma_start3A_1014 : memref<1x1x80x128xf32, #tpu.memory_space<vmem_shared>> -> memref<80x128xf32, #tpu.memory_space<vmem_shared>>
      %dma_start3A_1016 = arith.constant 0 : i32
      %dma_start3A_1017 = arith.constant 0 : i32
      %dma_start3A_1018 = tpu.memref_slice %arg6[%dma_start3A_1002, %dma_start3A_1016, %dma_start3A_1017] : memref<5x80x128xf32, #tpu.memory_space<vmem>> -> memref<1x80x128xf32, #tpu.memory_space<vmem>>
      %dma_start3A_1019 = tpu.memref_squeeze %dma_start3A_1018 : memref<1x80x128xf32, #tpu.memory_space<vmem>> -> memref<80x128xf32, #tpu.memory_space<vmem>>
      tpu.enqueue_dma source(%dma_start3A_1019 : memref<80x128xf32, #tpu.memory_space<vmem>>) target(%dma_start3A_1015 : memref<80x128xf32, #tpu.memory_space<vmem_shared>>) target_semaphore(%arg15 : memref<!tpu.dma_semaphore, #tpu.memory_space<semaphore_mem>>)
      %sub3A_1020 = arith.constant 1 : i32
      %sub3A_1021 = arith.subi %add3A_976, %sub3A_1020 : i32
      %dma_wait3A_1022 = arith.constant 1 : i32
      %dma_wait3A_1023 = arith.constant 1 : i32
      %dma_wait3A_1024 = arith.constant 0 : i32
      %dma_wait3A_1025 = arith.constant 0 : i32
      %dma_wait3A_1026 = tpu.memref_slice %arg6[%dma_wait3A_1022, %dma_wait3A_1024, %dma_wait3A_1025] : memref<5x80x128xf32, #tpu.memory_space<vmem>> -> memref<1x80x128xf32, #tpu.memory_space<vmem>>
      %dma_wait3A_1027 = tpu.memref_squeeze %dma_wait3A_1026 : memref<1x80x128xf32, #tpu.memory_space<vmem>> -> memref<80x128xf32, #tpu.memory_space<vmem>>
      %dma_wait3A_1028 = arith.constant 0 : i32
      %dma_wait3A_1029 = arith.constant 0 : i32
      %dma_wait3A_1030 = tpu.memref_slice %arg7[%arg1, %dma_wait3A_1023, %dma_wait3A_1028, %dma_wait3A_1029] : memref<16x5x80x128xf32, #tpu.memory_space<vmem_shared>> -> memref<1x1x80x128xf32, #tpu.memory_space<vmem_shared>>
      %dma_wait3A_1031 = tpu.memref_squeeze %dma_wait3A_1030 : memref<1x1x80x128xf32, #tpu.memory_space<vmem_shared>> -> memref<80x128xf32, #tpu.memory_space<vmem_shared>>
      %dma_wait3A_1032 = arith.constant 0 : i32
      %dma_wait3A_1033 = arith.constant 0 : i32
      %dma_wait3A_1034 = tpu.memref_slice %arg7[%arg1, %dma_wait3A_1023, %dma_wait3A_1032, %dma_wait3A_1033] : memref<16x5x80x128xf32, #tpu.memory_space<vmem_shared>> -> memref<1x1x80x128xf32, #tpu.memory_space<vmem_shared>>
      %dma_wait3A_1035 = tpu.memref_squeeze %dma_wait3A_1034 : memref<1x1x80x128xf32, #tpu.memory_space<vmem_shared>> -> memref<80x128xf32, #tpu.memory_space<vmem_shared>>
      %dma_wait3A_1036 = arith.constant 0 : i32
      %dma_wait3A_1037 = arith.constant 0 : i32
      %dma_wait3A_1038 = tpu.memref_slice %arg6[%dma_wait3A_1022, %dma_wait3A_1036, %dma_wait3A_1037] : memref<5x80x128xf32, #tpu.memory_space<vmem>> -> memref<1x80x128xf32, #tpu.memory_space<vmem>>
      %dma_wait3A_1039 = tpu.memref_squeeze %dma_wait3A_1038 : memref<1x80x128xf32, #tpu.memory_space<vmem>> -> memref<80x128xf32, #tpu.memory_space<vmem>>
      tpu.wait_dma2 semaphore(%arg14 : memref<!tpu.dma_semaphore, #tpu.memory_space<semaphore_mem>>) src(%dma_wait3A_1039 : memref<80x128xf32, #tpu.memory_space<vmem>>) dst(%dma_wait3A_1035 : memref<80x128xf32, #tpu.memory_space<vmem_shared>>)
      %sub3A_1040 = arith.constant 1 : i32
      %sub3A_1041 = arith.subi %add3A_976, %sub3A_1040 : i32
      %mul3A_1042 = arith.constant 80 : i32
      %mul3A_1043 = arith.muli %sub3A_1041, %mul3A_1042 : i32
      %multiple_of3A_1044 = tpu.assume_multiple %mul3A_1043, 8 : i32
      %add3A_1045 = arith.addi %mul3A_2, %multiple_of3A_1044 : i32
      %dma_start3A_1046 = arith.constant 1 : i32
      %dma_start3A_1047 = arith.constant 0 : i32
      %dma_start3A_1048 = tpu.memref_slice %arg4[%add3A_1045, %dma_start3A_1047] : memref<819200x128xf32, #tpu.memory_space<hbm>> -> memref<80x128xf32, #tpu.memory_space<hbm>>
      %dma_start3A_1049 = arith.constant 0 : i32
      %dma_start3A_1050 = arith.constant 0 : i32
      %dma_start3A_1051 = tpu.memref_slice %arg7[%arg1, %dma_start3A_1046, %dma_start3A_1049, %dma_start3A_1050] : memref<16x5x80x128xf32, #tpu.memory_space<vmem_shared>> -> memref<1x1x80x128xf32, #tpu.memory_space<vmem_shared>>
      %dma_start3A_1052 = tpu.memref_squeeze %dma_start3A_1051 : memref<1x1x80x128xf32, #tpu.memory_space<vmem_shared>> -> memref<80x128xf32, #tpu.memory_space<vmem_shared>>
      tpu.enqueue_dma source(%dma_start3A_1052 : memref<80x128xf32, #tpu.memory_space<vmem_shared>>) target(%dma_start3A_1048 : memref<80x128xf32, #tpu.memory_space<hbm>>) target_semaphore(%arg19 : memref<!tpu.dma_semaphore, #tpu.memory_space<semaphore_mem>>)
      %add3A_1053 = arith.constant 4 : i32
      %add3A_1054 = arith.addi %add3A_976, %add3A_1053 : i32
      %mul3A_1055 = arith.constant 80 : i32
      %mul3A_1056 = arith.muli %add3A_1054, %mul3A_1055 : i32
      %multiple_of3A_1057 = tpu.assume_multiple %mul3A_1056, 8 : i32
      %dma_start3A_1058 = arith.constant 1 : i32
      %dma_start3A_1059 = arith.constant 0 : i32
      %dma_start3A_1060 = arith.constant 0 : i32
      %dma_start3A_1061 = tpu.memref_slice %arg6[%dma_start3A_1058, %dma_start3A_1059, %dma_start3A_1060] : memref<5x80x128xf32, #tpu.memory_space<vmem>> -> memref<1x80x128xf32, #tpu.memory_space<vmem>>
      %dma_start3A_1062 = tpu.memref_squeeze %dma_start3A_1061 : memref<1x80x128xf32, #tpu.memory_space<vmem>> -> memref<80x128xf32, #tpu.memory_space<vmem>>
      %dma_start3A_1063 = tpu.memref_slice %arg5[%multiple_of3A_1057] : memref<25600xi32, #tpu.memory_space<vmem>> -> memref<80xi32, #tpu.memory_space<vmem>>
      %dma_start3A_1064 = arith.constant 0 : i32
      %dma_start3A_1065 = arith.constant 0 : i32
      %dma_start3A_1066 = tpu.memref_slice %arg3[%dma_start3A_1064, %dma_start3A_1065] : memref<100000x128xf32, #tpu.memory_space<hbm>> -> memref<100000x128xf32, #tpu.memory_space<hbm>>
      tpu.enqueue_indirect_dma source(%dma_start3A_1066 : memref<100000x128xf32, #tpu.memory_space<hbm>>) target(%dma_start3A_1062 : memref<80x128xf32, #tpu.memory_space<vmem>>) offsets(%dma_start3A_1063 : memref<80xi32, #tpu.memory_space<vmem>>) semaphore(%arg9 : memref<!tpu.dma_semaphore, #tpu.memory_space<semaphore_mem>>)
      %mul3A_1067 = arith.constant 5 : i32
      %mul3A_1068 = arith.muli %scan3A_785, %mul3A_1067 : i32
      %add3A_1069 = arith.constant 3 : i32
      %add3A_1070 = arith.addi %mul3A_1068, %add3A_1069 : i32
      %mul3A_1071 = arith.constant 80 : i32
      %mul3A_1072 = arith.muli %add3A_1070, %mul3A_1071 : i32
      %multiple_of3A_1073 = tpu.assume_multiple %mul3A_1072, 8 : i32
      %dma_wait3A_1074 = arith.constant 3 : i32
      %dma_wait3A_1075 = arith.constant 0 : i32
      %dma_wait3A_1076 = arith.constant 0 : i32
      %dma_wait3A_1077 = tpu.memref_slice %arg6[%dma_wait3A_1074, %dma_wait3A_1075, %dma_wait3A_1076] : memref<5x80x128xf32, #tpu.memory_space<vmem>> -> memref<1x80x128xf32, #tpu.memory_space<vmem>>
      %dma_wait3A_1078 = tpu.memref_squeeze %dma_wait3A_1077 : memref<1x80x128xf32, #tpu.memory_space<vmem>> -> memref<80x128xf32, #tpu.memory_space<vmem>>
      %dma_wait3A_1079 = tpu.memref_slice %arg5[%multiple_of3A_1073] : memref<25600xi32, #tpu.memory_space<vmem>> -> memref<80xi32, #tpu.memory_space<vmem>>
      %dma_wait3A_1080 = arith.constant 0 : i32
      %dma_wait3A_1081 = arith.constant 0 : i32
      %dma_wait3A_1082 = tpu.memref_slice %arg3[%dma_wait3A_1080, %dma_wait3A_1081] : memref<100000x128xf32, #tpu.memory_space<hbm>> -> memref<100000x128xf32, #tpu.memory_space<hbm>>
      tpu.wait_indirect_dma semaphore(%arg11 : memref<!tpu.dma_semaphore, #tpu.memory_space<semaphore_mem>>) src(%dma_wait3A_1082 : memref<100000x128xf32, #tpu.memory_space<hbm>>) dst(%dma_wait3A_1078 : memref<80x128xf32, #tpu.memory_space<vmem>>)
      %sub3A_1083 = arith.constant 5 : i32
      %sub3A_1084 = arith.subi %add3A_1070, %sub3A_1083 : i32
      %mul3A_1085 = arith.constant 80 : i32
      %mul3A_1086 = arith.muli %sub3A_1084, %mul3A_1085 : i32
      %multiple_of3A_1087 = tpu.assume_multiple %mul3A_1086, 8 : i32
      %add3A_1088 = arith.addi %mul3A_2, %multiple_of3A_1087 : i32
      %dma_wait3A_1089 = arith.constant 3 : i32
      %dma_wait3A_1090 = arith.constant 0 : i32
      %dma_wait3A_1091 = tpu.memref_slice %arg4[%add3A_1088, %dma_wait3A_1090] : memref<819200x128xf32, #tpu.memory_space<hbm>> -> memref<80x128xf32, #tpu.memory_space<hbm>>
      %dma_wait3A_1092 = arith.constant 0 : i32
      %dma_wait3A_1093 = arith.constant 0 : i32
      %dma_wait3A_1094 = tpu.memref_slice %arg7[%arg1, %dma_wait3A_1089, %dma_wait3A_1092, %dma_wait3A_1093] : memref<16x5x80x128xf32, #tpu.memory_space<vmem_shared>> -> memref<1x1x80x128xf32, #tpu.memory_space<vmem_shared>>
      %dma_wait3A_1095 = tpu.memref_squeeze %dma_wait3A_1094 : memref<1x1x80x128xf32, #tpu.memory_space<vmem_shared>> -> memref<80x128xf32, #tpu.memory_space<vmem_shared>>
      tpu.wait_dma2 semaphore(%arg21 : memref<!tpu.dma_semaphore, #tpu.memory_space<semaphore_mem>>) src(%dma_wait3A_1095 : memref<80x128xf32, #tpu.memory_space<vmem_shared>>) dst(%dma_wait3A_1091 : memref<80x128xf32, #tpu.memory_space<hbm>>)
      %dma_start3A_1096 = arith.constant 3 : i32
      %dma_start3A_1097 = arith.constant 3 : i32
      %dma_start3A_1098 = arith.constant 0 : i32
      %dma_start3A_1099 = arith.constant 0 : i32
      %dma_start3A_1100 = tpu.memref_slice %arg6[%dma_start3A_1096, %dma_start3A_1098, %dma_start3A_1099] : memref<5x80x128xf32, #tpu.memory_space<vmem>> -> memref<1x80x128xf32, #tpu.memory_space<vmem>>
      %dma_start3A_1101 = tpu.memref_squeeze %dma_start3A_1100 : memref<1x80x128xf32, #tpu.memory_space<vmem>> -> memref<80x128xf32, #tpu.memory_space<vmem>>
      %dma_start3A_1102 = arith.constant 0 : i32
      %dma_start3A_1103 = arith.constant 0 : i32
      %dma_start3A_1104 = tpu.memref_slice %arg7[%arg1, %dma_start3A_1097, %dma_start3A_1102, %dma_start3A_1103] : memref<16x5x80x128xf32, #tpu.memory_space<vmem_shared>> -> memref<1x1x80x128xf32, #tpu.memory_space<vmem_shared>>
      %dma_start3A_1105 = tpu.memref_squeeze %dma_start3A_1104 : memref<1x1x80x128xf32, #tpu.memory_space<vmem_shared>> -> memref<80x128xf32, #tpu.memory_space<vmem_shared>>
      %dma_start3A_1106 = arith.constant 0 : i32
      %dma_start3A_1107 = arith.constant 0 : i32
      %dma_start3A_1108 = tpu.memref_slice %arg7[%arg1, %dma_start3A_1097, %dma_start3A_1106, %dma_start3A_1107] : memref<16x5x80x128xf32, #tpu.memory_space<vmem_shared>> -> memref<1x1x80x128xf32, #tpu.memory_space<vmem_shared>>
      %dma_start3A_1109 = tpu.memref_squeeze %dma_start3A_1108 : memref<1x1x80x128xf32, #tpu.memory_space<vmem_shared>> -> memref<80x128xf32, #tpu.memory_space<vmem_shared>>
      %dma_start3A_1110 = arith.constant 0 : i32
      %dma_start3A_1111 = arith.constant 0 : i32
      %dma_start3A_1112 = tpu.memref_slice %arg6[%dma_start3A_1096, %dma_start3A_1110, %dma_start3A_1111] : memref<5x80x128xf32, #tpu.memory_space<vmem>> -> memref<1x80x128xf32, #tpu.memory_space<vmem>>
      %dma_start3A_1113 = tpu.memref_squeeze %dma_start3A_1112 : memref<1x80x128xf32, #tpu.memory_space<vmem>> -> memref<80x128xf32, #tpu.memory_space<vmem>>
      tpu.enqueue_dma source(%dma_start3A_1113 : memref<80x128xf32, #tpu.memory_space<vmem>>) target(%dma_start3A_1109 : memref<80x128xf32, #tpu.memory_space<vmem_shared>>) target_semaphore(%arg16 : memref<!tpu.dma_semaphore, #tpu.memory_space<semaphore_mem>>)
      %sub3A_1114 = arith.constant 1 : i32
      %sub3A_1115 = arith.subi %add3A_1070, %sub3A_1114 : i32
      %dma_wait3A_1116 = arith.constant 2 : i32
      %dma_wait3A_1117 = arith.constant 2 : i32
      %dma_wait3A_1118 = arith.constant 0 : i32
      %dma_wait3A_1119 = arith.constant 0 : i32
      %dma_wait3A_1120 = tpu.memref_slice %arg6[%dma_wait3A_1116, %dma_wait3A_1118, %dma_wait3A_1119] : memref<5x80x128xf32, #tpu.memory_space<vmem>> -> memref<1x80x128xf32, #tpu.memory_space<vmem>>
      %dma_wait3A_1121 = tpu.memref_squeeze %dma_wait3A_1120 : memref<1x80x128xf32, #tpu.memory_space<vmem>> -> memref<80x128xf32, #tpu.memory_space<vmem>>
      %dma_wait3A_1122 = arith.constant 0 : i32
      %dma_wait3A_1123 = arith.constant 0 : i32
      %dma_wait3A_1124 = tpu.memref_slice %arg7[%arg1, %dma_wait3A_1117, %dma_wait3A_1122, %dma_wait3A_1123] : memref<16x5x80x128xf32, #tpu.memory_space<vmem_shared>> -> memref<1x1x80x128xf32, #tpu.memory_space<vmem_shared>>
      %dma_wait3A_1125 = tpu.memref_squeeze %dma_wait3A_1124 : memref<1x1x80x128xf32, #tpu.memory_space<vmem_shared>> -> memref<80x128xf32, #tpu.memory_space<vmem_shared>>
      %dma_wait3A_1126 = arith.constant 0 : i32
      %dma_wait3A_1127 = arith.constant 0 : i32
      %dma_wait3A_1128 = tpu.memref_slice %arg7[%arg1, %dma_wait3A_1117, %dma_wait3A_1126, %dma_wait3A_1127] : memref<16x5x80x128xf32, #tpu.memory_space<vmem_shared>> -> memref<1x1x80x128xf32, #tpu.memory_space<vmem_shared>>
      %dma_wait3A_1129 = tpu.memref_squeeze %dma_wait3A_1128 : memref<1x1x80x128xf32, #tpu.memory_space<vmem_shared>> -> memref<80x128xf32, #tpu.memory_space<vmem_shared>>
      %dma_wait3A_1130 = arith.constant 0 : i32
      %dma_wait3A_1131 = arith.constant 0 : i32
      %dma_wait3A_1132 = tpu.memref_slice %arg6[%dma_wait3A_1116, %dma_wait3A_1130, %dma_wait3A_1131] : memref<5x80x128xf32, #tpu.memory_space<vmem>> -> memref<1x80x128xf32, #tpu.memory_space<vmem>>
      %dma_wait3A_1133 = tpu.memref_squeeze %dma_wait3A_1132 : memref<1x80x128xf32, #tpu.memory_space<vmem>> -> memref<80x128xf32, #tpu.memory_space<vmem>>
      tpu.wait_dma2 semaphore(%arg15 : memref<!tpu.dma_semaphore, #tpu.memory_space<semaphore_mem>>) src(%dma_wait3A_1133 : memref<80x128xf32, #tpu.memory_space<vmem>>) dst(%dma_wait3A_1129 : memref<80x128xf32, #tpu.memory_space<vmem_shared>>)
      %sub3A_1134 = arith.constant 1 : i32
      %sub3A_1135 = arith.subi %add3A_1070, %sub3A_1134 : i32
      %mul3A_1136 = arith.constant 80 : i32
      %mul3A_1137 = arith.muli %sub3A_1135, %mul3A_1136 : i32
      %multiple_of3A_1138 = tpu.assume_multiple %mul3A_1137, 8 : i32
      %add3A_1139 = arith.addi %mul3A_2, %multiple_of3A_1138 : i32
      %dma_start3A_1140 = arith.constant 2 : i32
      %dma_start3A_1141 = arith.constant 0 : i32
      %dma_start3A_1142 = tpu.memref_slice %arg4[%add3A_1139, %dma_start3A_1141] : memref<819200x128xf32, #tpu.memory_space<hbm>> -> memref<80x128xf32, #tpu.memory_space<hbm>>
      %dma_start3A_1143 = arith.constant 0 : i32
      %dma_start3A_1144 = arith.constant 0 : i32
      %dma_start3A_1145 = tpu.memref_slice %arg7[%arg1, %dma_start3A_1140, %dma_start3A_1143, %dma_start3A_1144] : memref<16x5x80x128xf32, #tpu.memory_space<vmem_shared>> -> memref<1x1x80x128xf32, #tpu.memory_space<vmem_shared>>
      %dma_start3A_1146 = tpu.memref_squeeze %dma_start3A_1145 : memref<1x1x80x128xf32, #tpu.memory_space<vmem_shared>> -> memref<80x128xf32, #tpu.memory_space<vmem_shared>>
      tpu.enqueue_dma source(%dma_start3A_1146 : memref<80x128xf32, #tpu.memory_space<vmem_shared>>) target(%dma_start3A_1142 : memref<80x128xf32, #tpu.memory_space<hbm>>) target_semaphore(%arg20 : memref<!tpu.dma_semaphore, #tpu.memory_space<semaphore_mem>>)
      %add3A_1147 = arith.constant 4 : i32
      %add3A_1148 = arith.addi %add3A_1070, %add3A_1147 : i32
      %mul3A_1149 = arith.constant 80 : i32
      %mul3A_1150 = arith.muli %add3A_1148, %mul3A_1149 : i32
      %multiple_of3A_1151 = tpu.assume_multiple %mul3A_1150, 8 : i32
      %dma_start3A_1152 = arith.constant 2 : i32
      %dma_start3A_1153 = arith.constant 0 : i32
      %dma_start3A_1154 = arith.constant 0 : i32
      %dma_start3A_1155 = tpu.memref_slice %arg6[%dma_start3A_1152, %dma_start3A_1153, %dma_start3A_1154] : memref<5x80x128xf32, #tpu.memory_space<vmem>> -> memref<1x80x128xf32, #tpu.memory_space<vmem>>
      %dma_start3A_1156 = tpu.memref_squeeze %dma_start3A_1155 : memref<1x80x128xf32, #tpu.memory_space<vmem>> -> memref<80x128xf32, #tpu.memory_space<vmem>>
      %dma_start3A_1157 = tpu.memref_slice %arg5[%multiple_of3A_1151] : memref<25600xi32, #tpu.memory_space<vmem>> -> memref<80xi32, #tpu.memory_space<vmem>>
      %dma_start3A_1158 = arith.constant 0 : i32
      %dma_start3A_1159 = arith.constant 0 : i32
      %dma_start3A_1160 = tpu.memref_slice %arg3[%dma_start3A_1158, %dma_start3A_1159] : memref<100000x128xf32, #tpu.memory_space<hbm>> -> memref<100000x128xf32, #tpu.memory_space<hbm>>
      tpu.enqueue_indirect_dma source(%dma_start3A_1160 : memref<100000x128xf32, #tpu.memory_space<hbm>>) target(%dma_start3A_1156 : memref<80x128xf32, #tpu.memory_space<vmem>>) offsets(%dma_start3A_1157 : memref<80xi32, #tpu.memory_space<vmem>>) semaphore(%arg10 : memref<!tpu.dma_semaphore, #tpu.memory_space<semaphore_mem>>)
      %mul3A_1161 = arith.constant 5 : i32
      %mul3A_1162 = arith.muli %scan3A_785, %mul3A_1161 : i32
      %add3A_1163 = arith.constant 4 : i32
      %add3A_1164 = arith.addi %mul3A_1162, %add3A_1163 : i32
      %mul3A_1165 = arith.constant 80 : i32
      %mul3A_1166 = arith.muli %add3A_1164, %mul3A_1165 : i32
      %multiple_of3A_1167 = tpu.assume_multiple %mul3A_1166, 8 : i32
      %dma_wait3A_1168 = arith.constant 4 : i32
      %dma_wait3A_1169 = arith.constant 0 : i32
      %dma_wait3A_1170 = arith.constant 0 : i32
      %dma_wait3A_1171 = tpu.memref_slice %arg6[%dma_wait3A_1168, %dma_wait3A_1169, %dma_wait3A_1170] : memref<5x80x128xf32, #tpu.memory_space<vmem>> -> memref<1x80x128xf32, #tpu.memory_space<vmem>>
      %dma_wait3A_1172 = tpu.memref_squeeze %dma_wait3A_1171 : memref<1x80x128xf32, #tpu.memory_space<vmem>> -> memref<80x128xf32, #tpu.memory_space<vmem>>
      %dma_wait3A_1173 = tpu.memref_slice %arg5[%multiple_of3A_1167] : memref<25600xi32, #tpu.memory_space<vmem>> -> memref<80xi32, #tpu.memory_space<vmem>>
      %dma_wait3A_1174 = arith.constant 0 : i32
      %dma_wait3A_1175 = arith.constant 0 : i32
      %dma_wait3A_1176 = tpu.memref_slice %arg3[%dma_wait3A_1174, %dma_wait3A_1175] : memref<100000x128xf32, #tpu.memory_space<hbm>> -> memref<100000x128xf32, #tpu.memory_space<hbm>>
      tpu.wait_indirect_dma semaphore(%arg12 : memref<!tpu.dma_semaphore, #tpu.memory_space<semaphore_mem>>) src(%dma_wait3A_1176 : memref<100000x128xf32, #tpu.memory_space<hbm>>) dst(%dma_wait3A_1172 : memref<80x128xf32, #tpu.memory_space<vmem>>)
      %sub3A_1177 = arith.constant 5 : i32
      %sub3A_1178 = arith.subi %add3A_1164, %sub3A_1177 : i32
      %mul3A_1179 = arith.constant 80 : i32
      %mul3A_1180 = arith.muli %sub3A_1178, %mul3A_1179 : i32
      %multiple_of3A_1181 = tpu.assume_multiple %mul3A_1180, 8 : i32
      %add3A_1182 = arith.addi %mul3A_2, %multiple_of3A_1181 : i32
      %dma_wait3A_1183 = arith.constant 4 : i32
      %dma_wait3A_1184 = arith.constant 0 : i32
      %dma_wait3A_1185 = tpu.memref_slice %arg4[%add3A_1182, %dma_wait3A_1184] : memref<819200x128xf32, #tpu.memory_space<hbm>> -> memref<80x128xf32, #tpu.memory_space<hbm>>
      %dma_wait3A_1186 = arith.constant 0 : i32
      %dma_wait3A_1187 = arith.constant 0 : i32
      %dma_wait3A_1188 = tpu.memref_slice %arg7[%arg1, %dma_wait3A_1183, %dma_wait3A_1186, %dma_wait3A_1187] : memref<16x5x80x128xf32, #tpu.memory_space<vmem_shared>> -> memref<1x1x80x128xf32, #tpu.memory_space<vmem_shared>>
      %dma_wait3A_1189 = tpu.memref_squeeze %dma_wait3A_1188 : memref<1x1x80x128xf32, #tpu.memory_space<vmem_shared>> -> memref<80x128xf32, #tpu.memory_space<vmem_shared>>
      tpu.wait_dma2 semaphore(%arg22 : memref<!tpu.dma_semaphore, #tpu.memory_space<semaphore_mem>>) src(%dma_wait3A_1189 : memref<80x128xf32, #tpu.memory_space<vmem_shared>>) dst(%dma_wait3A_1185 : memref<80x128xf32, #tpu.memory_space<hbm>>)
      %dma_start3A_1190 = arith.constant 4 : i32
      %dma_start3A_1191 = arith.constant 4 : i32
      %dma_start3A_1192 = arith.constant 0 : i32
      %dma_start3A_1193 = arith.constant 0 : i32
      %dma_start3A_1194 = tpu.memref_slice %arg6[%dma_start3A_1190, %dma_start3A_1192, %dma_start3A_1193] : memref<5x80x128xf32, #tpu.memory_space<vmem>> -> memref<1x80x128xf32, #tpu.memory_space<vmem>>
      %dma_start3A_1195 = tpu.memref_squeeze %dma_start3A_1194 : memref<1x80x128xf32, #tpu.memory_space<vmem>> -> memref<80x128xf32, #tpu.memory_space<vmem>>
      %dma_start3A_1196 = arith.constant 0 : i32
      %dma_start3A_1197 = arith.constant 0 : i32
      %dma_start3A_1198 = tpu.memref_slice %arg7[%arg1, %dma_start3A_1191, %dma_start3A_1196, %dma_start3A_1197] : memref<16x5x80x128xf32, #tpu.memory_space<vmem_shared>> -> memref<1x1x80x128xf32, #tpu.memory_space<vmem_shared>>
      %dma_start3A_1199 = tpu.memref_squeeze %dma_start3A_1198 : memref<1x1x80x128xf32, #tpu.memory_space<vmem_shared>> -> memref<80x128xf32, #tpu.memory_space<vmem_shared>>
      %dma_start3A_1200 = arith.constant 0 : i32
      %dma_start3A_1201 = arith.constant 0 : i32
      %dma_start3A_1202 = tpu.memref_slice %arg7[%arg1, %dma_start3A_1191, %dma_start3A_1200, %dma_start3A_1201] : memref<16x5x80x128xf32, #tpu.memory_space<vmem_shared>> -> memref<1x1x80x128xf32, #tpu.memory_space<vmem_shared>>
      %dma_start3A_1203 = tpu.memref_squeeze %dma_start3A_1202 : memref<1x1x80x128xf32, #tpu.memory_space<vmem_shared>> -> memref<80x128xf32, #tpu.memory_space<vmem_shared>>
      %dma_start3A_1204 = arith.constant 0 : i32
      %dma_start3A_1205 = arith.constant 0 : i32
      %dma_start3A_1206 = tpu.memref_slice %arg6[%dma_start3A_1190, %dma_start3A_1204, %dma_start3A_1205] : memref<5x80x128xf32, #tpu.memory_space<vmem>> -> memref<1x80x128xf32, #tpu.memory_space<vmem>>
      %dma_start3A_1207 = tpu.memref_squeeze %dma_start3A_1206 : memref<1x80x128xf32, #tpu.memory_space<vmem>> -> memref<80x128xf32, #tpu.memory_space<vmem>>
      tpu.enqueue_dma source(%dma_start3A_1207 : memref<80x128xf32, #tpu.memory_space<vmem>>) target(%dma_start3A_1203 : memref<80x128xf32, #tpu.memory_space<vmem_shared>>) target_semaphore(%arg17 : memref<!tpu.dma_semaphore, #tpu.memory_space<semaphore_mem>>)
      %sub3A_1208 = arith.constant 1 : i32
      %sub3A_1209 = arith.subi %add3A_1164, %sub3A_1208 : i32
      %dma_wait3A_1210 = arith.constant 3 : i32
      %dma_wait3A_1211 = arith.constant 3 : i32
      %dma_wait3A_1212 = arith.constant 0 : i32
      %dma_wait3A_1213 = arith.constant 0 : i32
      %dma_wait3A_1214 = tpu.memref_slice %arg6[%dma_wait3A_1210, %dma_wait3A_1212, %dma_wait3A_1213] : memref<5x80x128xf32, #tpu.memory_space<vmem>> -> memref<1x80x128xf32, #tpu.memory_space<vmem>>
      %dma_wait3A_1215 = tpu.memref_squeeze %dma_wait3A_1214 : memref<1x80x128xf32, #tpu.memory_space<vmem>> -> memref<80x128xf32, #tpu.memory_space<vmem>>
      %dma_wait3A_1216 = arith.constant 0 : i32
      %dma_wait3A_1217 = arith.constant 0 : i32
      %dma_wait3A_1218 = tpu.memref_slice %arg7[%arg1, %dma_wait3A_1211, %dma_wait3A_1216, %dma_wait3A_1217] : memref<16x5x80x128xf32, #tpu.memory_space<vmem_shared>> -> memref<1x1x80x128xf32, #tpu.memory_space<vmem_shared>>
      %dma_wait3A_1219 = tpu.memref_squeeze %dma_wait3A_1218 : memref<1x1x80x128xf32, #tpu.memory_space<vmem_shared>> -> memref<80x128xf32, #tpu.memory_space<vmem_shared>>
      %dma_wait3A_1220 = arith.constant 0 : i32
      %dma_wait3A_1221 = arith.constant 0 : i32
      %dma_wait3A_1222 = tpu.memref_slice %arg7[%arg1, %dma_wait3A_1211, %dma_wait3A_1220, %dma_wait3A_1221] : memref<16x5x80x128xf32, #tpu.memory_space<vmem_shared>> -> memref<1x1x80x128xf32, #tpu.memory_space<vmem_shared>>
      %dma_wait3A_1223 = tpu.memref_squeeze %dma_wait3A_1222 : memref<1x1x80x128xf32, #tpu.memory_space<vmem_shared>> -> memref<80x128xf32, #tpu.memory_space<vmem_shared>>
      %dma_wait3A_1224 = arith.constant 0 : i32
      %dma_wait3A_1225 = arith.constant 0 : i32
      %dma_wait3A_1226 = tpu.memref_slice %arg6[%dma_wait3A_1210, %dma_wait3A_1224, %dma_wait3A_1225] : memref<5x80x128xf32, #tpu.memory_space<vmem>> -> memref<1x80x128xf32, #tpu.memory_space<vmem>>
      %dma_wait3A_1227 = tpu.memref_squeeze %dma_wait3A_1226 : memref<1x80x128xf32, #tpu.memory_space<vmem>> -> memref<80x128xf32, #tpu.memory_space<vmem>>
      tpu.wait_dma2 semaphore(%arg16 : memref<!tpu.dma_semaphore, #tpu.memory_space<semaphore_mem>>) src(%dma_wait3A_1227 : memref<80x128xf32, #tpu.memory_space<vmem>>) dst(%dma_wait3A_1223 : memref<80x128xf32, #tpu.memory_space<vmem_shared>>)
      %sub3A_1228 = arith.constant 1 : i32
      %sub3A_1229 = arith.subi %add3A_1164, %sub3A_1228 : i32
      %mul3A_1230 = arith.constant 80 : i32
      %mul3A_1231 = arith.muli %sub3A_1229, %mul3A_1230 : i32
      %multiple_of3A_1232 = tpu.assume_multiple %mul3A_1231, 8 : i32
      %add3A_1233 = arith.addi %mul3A_2, %multiple_of3A_1232 : i32
      %dma_start3A_1234 = arith.constant 3 : i32
      %dma_start3A_1235 = arith.constant 0 : i32
      %dma_start3A_1236 = tpu.memref_slice %arg4[%add3A_1233, %dma_start3A_1235] : memref<819200x128xf32, #tpu.memory_space<hbm>> -> memref<80x128xf32, #tpu.memory_space<hbm>>
      %dma_start3A_1237 = arith.constant 0 : i32
      %dma_start3A_1238 = arith.constant 0 : i32
      %dma_start3A_1239 = tpu.memref_slice %arg7[%arg1, %dma_start3A_1234, %dma_start3A_1237, %dma_start3A_1238] : memref<16x5x80x128xf32, #tpu.memory_space<vmem_shared>> -> memref<1x1x80x128xf32, #tpu.memory_space<vmem_shared>>
      %dma_start3A_1240 = tpu.memref_squeeze %dma_start3A_1239 : memref<1x1x80x128xf32, #tpu.memory_space<vmem_shared>> -> memref<80x128xf32, #tpu.memory_space<vmem_shared>>
      tpu.enqueue_dma source(%dma_start3A_1240 : memref<80x128xf32, #tpu.memory_space<vmem_shared>>) target(%dma_start3A_1236 : memref<80x128xf32, #tpu.memory_space<hbm>>) target_semaphore(%arg21 : memref<!tpu.dma_semaphore, #tpu.memory_space<semaphore_mem>>)
      %add3A_1241 = arith.constant 4 : i32
      %add3A_1242 = arith.addi %add3A_1164, %add3A_1241 : i32
      %mul3A_1243 = arith.constant 80 : i32
      %mul3A_1244 = arith.muli %add3A_1242, %mul3A_1243 : i32
      %multiple_of3A_1245 = tpu.assume_multiple %mul3A_1244, 8 : i32
      %dma_start3A_1246 = arith.constant 3 : i32
      %dma_start3A_1247 = arith.constant 0 : i32
      %dma_start3A_1248 = arith.constant 0 : i32
      %dma_start3A_1249 = tpu.memref_slice %arg6[%dma_start3A_1246, %dma_start3A_1247, %dma_start3A_1248] : memref<5x80x128xf32, #tpu.memory_space<vmem>> -> memref<1x80x128xf32, #tpu.memory_space<vmem>>
      %dma_start3A_1250 = tpu.memref_squeeze %dma_start3A_1249 : memref<1x80x128xf32, #tpu.memory_space<vmem>> -> memref<80x128xf32, #tpu.memory_space<vmem>>
      %dma_start3A_1251 = tpu.memref_slice %arg5[%multiple_of3A_1245] : memref<25600xi32, #tpu.memory_space<vmem>> -> memref<80xi32, #tpu.memory_space<vmem>>
      %dma_start3A_1252 = arith.constant 0 : i32
      %dma_start3A_1253 = arith.constant 0 : i32
      %dma_start3A_1254 = tpu.memref_slice %arg3[%dma_start3A_1252, %dma_start3A_1253] : memref<100000x128xf32, #tpu.memory_space<hbm>> -> memref<100000x128xf32, #tpu.memory_space<hbm>>
      tpu.enqueue_indirect_dma source(%dma_start3A_1254 : memref<100000x128xf32, #tpu.memory_space<hbm>>) target(%dma_start3A_1250 : memref<80x128xf32, #tpu.memory_space<vmem>>) offsets(%dma_start3A_1251 : memref<80xi32, #tpu.memory_space<vmem>>) semaphore(%arg11 : memref<!tpu.dma_semaphore, #tpu.memory_space<semaphore_mem>>)
    }
    %scan3A_360 = arith.constant 62 : i32
    %multiple_of3A_361 = arith.constant 25200 : i32
    %multiple_of3A_362 = tpu.assume_multiple %multiple_of3A_361, 8 : i32
    %dma_wait3A_363 = arith.constant 0 : i32
    %dma_wait3A_364 = arith.constant 0 : i32
    %dma_wait3A_365 = arith.constant 0 : i32
    %dma_wait3A_366 = tpu.memref_slice %arg6[%dma_wait3A_363, %dma_wait3A_364, %dma_wait3A_365] : memref<5x80x128xf32, #tpu.memory_space<vmem>> -> memref<1x80x128xf32, #tpu.memory_space<vmem>>
    %dma_wait3A_367 = tpu.memref_squeeze %dma_wait3A_366 : memref<1x80x128xf32, #tpu.memory_space<vmem>> -> memref<80x128xf32, #tpu.memory_space<vmem>>
    %dma_wait3A_368 = tpu.memref_slice %arg5[%multiple_of3A_362] : memref<25600xi32, #tpu.memory_space<vmem>> -> memref<80xi32, #tpu.memory_space<vmem>>
    %dma_wait3A_369 = arith.constant 0 : i32
    %dma_wait3A_370 = arith.constant 0 : i32
    %dma_wait3A_371 = tpu.memref_slice %arg3[%dma_wait3A_369, %dma_wait3A_370] : memref<100000x128xf32, #tpu.memory_space<hbm>> -> memref<100000x128xf32, #tpu.memory_space<hbm>>
    tpu.wait_indirect_dma semaphore(%arg8 : memref<!tpu.dma_semaphore, #tpu.memory_space<semaphore_mem>>) src(%dma_wait3A_371 : memref<100000x128xf32, #tpu.memory_space<hbm>>) dst(%dma_wait3A_367 : memref<80x128xf32, #tpu.memory_space<vmem>>)
    %multiple_of3A_372 = arith.constant 24800 : i32
    %multiple_of3A_373 = tpu.assume_multiple %multiple_of3A_372, 8 : i32
    %add3A_374 = arith.addi %mul3A_2, %multiple_of3A_373 : i32
    %dma_wait3A_375 = arith.constant 0 : i32
    %dma_wait3A_376 = arith.constant 0 : i32
    %dma_wait3A_377 = tpu.memref_slice %arg4[%add3A_374, %dma_wait3A_376] : memref<819200x128xf32, #tpu.memory_space<hbm>> -> memref<80x128xf32, #tpu.memory_space<hbm>>
    %dma_wait3A_378 = arith.constant 0 : i32
    %dma_wait3A_379 = arith.constant 0 : i32
    %dma_wait3A_380 = tpu.memref_slice %arg7[%arg1, %dma_wait3A_375, %dma_wait3A_378, %dma_wait3A_379] : memref<16x5x80x128xf32, #tpu.memory_space<vmem_shared>> -> memref<1x1x80x128xf32, #tpu.memory_space<vmem_shared>>
    %dma_wait3A_381 = tpu.memref_squeeze %dma_wait3A_380 : memref<1x1x80x128xf32, #tpu.memory_space<vmem_shared>> -> memref<80x128xf32, #tpu.memory_space<vmem_shared>>
    tpu.wait_dma2 semaphore(%arg18 : memref<!tpu.dma_semaphore, #tpu.memory_space<semaphore_mem>>) src(%dma_wait3A_381 : memref<80x128xf32, #tpu.memory_space<vmem_shared>>) dst(%dma_wait3A_377 : memref<80x128xf32, #tpu.memory_space<hbm>>)
    %dma_start3A_382 = arith.constant 0 : i32
    %dma_start3A_383 = arith.constant 0 : i32
    %dma_start3A_384 = arith.constant 0 : i32
    %dma_start3A_385 = arith.constant 0 : i32
    %dma_start3A_386 = tpu.memref_slice %arg6[%dma_start3A_382, %dma_start3A_384, %dma_start3A_385] : memref<5x80x128xf32, #tpu.memory_space<vmem>> -> memref<1x80x128xf32, #tpu.memory_space<vmem>>
    %dma_start3A_387 = tpu.memref_squeeze %dma_start3A_386 : memref<1x80x128xf32, #tpu.memory_space<vmem>> -> memref<80x128xf32, #tpu.memory_space<vmem>>
    %dma_start3A_388 = arith.constant 0 : i32
    %dma_start3A_389 = arith.constant 0 : i32
    %dma_start3A_390 = tpu.memref_slice %arg7[%arg1, %dma_start3A_383, %dma_start3A_388, %dma_start3A_389] : memref<16x5x80x128xf32, #tpu.memory_space<vmem_shared>> -> memref<1x1x80x128xf32, #tpu.memory_space<vmem_shared>>
    %dma_start3A_391 = tpu.memref_squeeze %dma_start3A_390 : memref<1x1x80x128xf32, #tpu.memory_space<vmem_shared>> -> memref<80x128xf32, #tpu.memory_space<vmem_shared>>
    %dma_start3A_392 = arith.constant 0 : i32
    %dma_start3A_393 = arith.constant 0 : i32
    %dma_start3A_394 = tpu.memref_slice %arg7[%arg1, %dma_start3A_383, %dma_start3A_392, %dma_start3A_393] : memref<16x5x80x128xf32, #tpu.memory_space<vmem_shared>> -> memref<1x1x80x128xf32, #tpu.memory_space<vmem_shared>>
    %dma_start3A_395 = tpu.memref_squeeze %dma_start3A_394 : memref<1x1x80x128xf32, #tpu.memory_space<vmem_shared>> -> memref<80x128xf32, #tpu.memory_space<vmem_shared>>
    %dma_start3A_396 = arith.constant 0 : i32
    %dma_start3A_397 = arith.constant 0 : i32
    %dma_start3A_398 = tpu.memref_slice %arg6[%dma_start3A_382, %dma_start3A_396, %dma_start3A_397] : memref<5x80x128xf32, #tpu.memory_space<vmem>> -> memref<1x80x128xf32, #tpu.memory_space<vmem>>
    %dma_start3A_399 = tpu.memref_squeeze %dma_start3A_398 : memref<1x80x128xf32, #tpu.memory_space<vmem>> -> memref<80x128xf32, #tpu.memory_space<vmem>>
    tpu.enqueue_dma source(%dma_start3A_399 : memref<80x128xf32, #tpu.memory_space<vmem>>) target(%dma_start3A_395 : memref<80x128xf32, #tpu.memory_space<vmem_shared>>) target_semaphore(%arg13 : memref<!tpu.dma_semaphore, #tpu.memory_space<semaphore_mem>>)
    %dma_wait3A_400 = arith.constant 4 : i32
    %dma_wait3A_401 = arith.constant 4 : i32
    %dma_wait3A_402 = arith.constant 0 : i32
    %dma_wait3A_403 = arith.constant 0 : i32
    %dma_wait3A_404 = tpu.memref_slice %arg6[%dma_wait3A_400, %dma_wait3A_402, %dma_wait3A_403] : memref<5x80x128xf32, #tpu.memory_space<vmem>> -> memref<1x80x128xf32, #tpu.memory_space<vmem>>
    %dma_wait3A_405 = tpu.memref_squeeze %dma_wait3A_404 : memref<1x80x128xf32, #tpu.memory_space<vmem>> -> memref<80x128xf32, #tpu.memory_space<vmem>>
    %dma_wait3A_406 = arith.constant 0 : i32
    %dma_wait3A_407 = arith.constant 0 : i32
    %dma_wait3A_408 = tpu.memref_slice %arg7[%arg1, %dma_wait3A_401, %dma_wait3A_406, %dma_wait3A_407] : memref<16x5x80x128xf32, #tpu.memory_space<vmem_shared>> -> memref<1x1x80x128xf32, #tpu.memory_space<vmem_shared>>
    %dma_wait3A_409 = tpu.memref_squeeze %dma_wait3A_408 : memref<1x1x80x128xf32, #tpu.memory_space<vmem_shared>> -> memref<80x128xf32, #tpu.memory_space<vmem_shared>>
    %dma_wait3A_410 = arith.constant 0 : i32
    %dma_wait3A_411 = arith.constant 0 : i32
    %dma_wait3A_412 = tpu.memref_slice %arg7[%arg1, %dma_wait3A_401, %dma_wait3A_410, %dma_wait3A_411] : memref<16x5x80x128xf32, #tpu.memory_space<vmem_shared>> -> memref<1x1x80x128xf32, #tpu.memory_space<vmem_shared>>
    %dma_wait3A_413 = tpu.memref_squeeze %dma_wait3A_412 : memref<1x1x80x128xf32, #tpu.memory_space<vmem_shared>> -> memref<80x128xf32, #tpu.memory_space<vmem_shared>>
    %dma_wait3A_414 = arith.constant 0 : i32
    %dma_wait3A_415 = arith.constant 0 : i32
    %dma_wait3A_416 = tpu.memref_slice %arg6[%dma_wait3A_400, %dma_wait3A_414, %dma_wait3A_415] : memref<5x80x128xf32, #tpu.memory_space<vmem>> -> memref<1x80x128xf32, #tpu.memory_space<vmem>>
    %dma_wait3A_417 = tpu.memref_squeeze %dma_wait3A_416 : memref<1x80x128xf32, #tpu.memory_space<vmem>> -> memref<80x128xf32, #tpu.memory_space<vmem>>
    tpu.wait_dma2 semaphore(%arg17 : memref<!tpu.dma_semaphore, #tpu.memory_space<semaphore_mem>>) src(%dma_wait3A_417 : memref<80x128xf32, #tpu.memory_space<vmem>>) dst(%dma_wait3A_413 : memref<80x128xf32, #tpu.memory_space<vmem_shared>>)
    %multiple_of3A_418 = arith.constant 25120 : i32
    %multiple_of3A_419 = tpu.assume_multiple %multiple_of3A_418, 8 : i32
    %add3A_420 = arith.addi %mul3A_2, %multiple_of3A_419 : i32
    %dma_start3A_421 = arith.constant 4 : i32
    %dma_start3A_422 = arith.constant 0 : i32
    %dma_start3A_423 = tpu.memref_slice %arg4[%add3A_420, %dma_start3A_422] : memref<819200x128xf32, #tpu.memory_space<hbm>> -> memref<80x128xf32, #tpu.memory_space<hbm>>
    %dma_start3A_424 = arith.constant 0 : i32
    %dma_start3A_425 = arith.constant 0 : i32
    %dma_start3A_426 = tpu.memref_slice %arg7[%arg1, %dma_start3A_421, %dma_start3A_424, %dma_start3A_425] : memref<16x5x80x128xf32, #tpu.memory_space<vmem_shared>> -> memref<1x1x80x128xf32, #tpu.memory_space<vmem_shared>>
    %dma_start3A_427 = tpu.memref_squeeze %dma_start3A_426 : memref<1x1x80x128xf32, #tpu.memory_space<vmem_shared>> -> memref<80x128xf32, #tpu.memory_space<vmem_shared>>
    tpu.enqueue_dma source(%dma_start3A_427 : memref<80x128xf32, #tpu.memory_space<vmem_shared>>) target(%dma_start3A_423 : memref<80x128xf32, #tpu.memory_space<hbm>>) target_semaphore(%arg22 : memref<!tpu.dma_semaphore, #tpu.memory_space<semaphore_mem>>)
    %multiple_of3A_428 = arith.constant 25520 : i32
    %multiple_of3A_429 = tpu.assume_multiple %multiple_of3A_428, 8 : i32
    %dma_start3A_430 = arith.constant 4 : i32
    %dma_start3A_431 = arith.constant 0 : i32
    %dma_start3A_432 = arith.constant 0 : i32
    %dma_start3A_433 = tpu.memref_slice %arg6[%dma_start3A_430, %dma_start3A_431, %dma_start3A_432] : memref<5x80x128xf32, #tpu.memory_space<vmem>> -> memref<1x80x128xf32, #tpu.memory_space<vmem>>
    %dma_start3A_434 = tpu.memref_squeeze %dma_start3A_433 : memref<1x80x128xf32, #tpu.memory_space<vmem>> -> memref<80x128xf32, #tpu.memory_space<vmem>>
    %dma_start3A_435 = tpu.memref_slice %arg5[%multiple_of3A_429] : memref<25600xi32, #tpu.memory_space<vmem>> -> memref<80xi32, #tpu.memory_space<vmem>>
    %dma_start3A_436 = arith.constant 0 : i32
    %dma_start3A_437 = arith.constant 0 : i32
    %dma_start3A_438 = tpu.memref_slice %arg3[%dma_start3A_436, %dma_start3A_437] : memref<100000x128xf32, #tpu.memory_space<hbm>> -> memref<100000x128xf32, #tpu.memory_space<hbm>>
    tpu.enqueue_indirect_dma source(%dma_start3A_438 : memref<100000x128xf32, #tpu.memory_space<hbm>>) target(%dma_start3A_434 : memref<80x128xf32, #tpu.memory_space<vmem>>) offsets(%dma_start3A_435 : memref<80xi32, #tpu.memory_space<vmem>>) semaphore(%arg12 : memref<!tpu.dma_semaphore, #tpu.memory_space<semaphore_mem>>)
    %multiple_of3A_439 = arith.constant 25280 : i32
    %multiple_of3A_440 = tpu.assume_multiple %multiple_of3A_439, 8 : i32
    %dma_wait3A_441 = arith.constant 1 : i32
    %dma_wait3A_442 = arith.constant 0 : i32
    %dma_wait3A_443 = arith.constant 0 : i32
    %dma_wait3A_444 = tpu.memref_slice %arg6[%dma_wait3A_441, %dma_wait3A_442, %dma_wait3A_443] : memref<5x80x128xf32, #tpu.memory_space<vmem>> -> memref<1x80x128xf32, #tpu.memory_space<vmem>>
    %dma_wait3A_445 = tpu.memref_squeeze %dma_wait3A_444 : memref<1x80x128xf32, #tpu.memory_space<vmem>> -> memref<80x128xf32, #tpu.memory_space<vmem>>
    %dma_wait3A_446 = tpu.memref_slice %arg5[%multiple_of3A_440] : memref<25600xi32, #tpu.memory_space<vmem>> -> memref<80xi32, #tpu.memory_space<vmem>>
    %dma_wait3A_447 = arith.constant 0 : i32
    %dma_wait3A_448 = arith.constant 0 : i32
    %dma_wait3A_449 = tpu.memref_slice %arg3[%dma_wait3A_447, %dma_wait3A_448] : memref<100000x128xf32, #tpu.memory_space<hbm>> -> memref<100000x128xf32, #tpu.memory_space<hbm>>
    tpu.wait_indirect_dma semaphore(%arg9 : memref<!tpu.dma_semaphore, #tpu.memory_space<semaphore_mem>>) src(%dma_wait3A_449 : memref<100000x128xf32, #tpu.memory_space<hbm>>) dst(%dma_wait3A_445 : memref<80x128xf32, #tpu.memory_space<vmem>>)
    %multiple_of3A_450 = arith.constant 24880 : i32
    %multiple_of3A_451 = tpu.assume_multiple %multiple_of3A_450, 8 : i32
    %add3A_452 = arith.addi %mul3A_2, %multiple_of3A_451 : i32
    %dma_wait3A_453 = arith.constant 1 : i32
    %dma_wait3A_454 = arith.constant 0 : i32
    %dma_wait3A_455 = tpu.memref_slice %arg4[%add3A_452, %dma_wait3A_454] : memref<819200x128xf32, #tpu.memory_space<hbm>> -> memref<80x128xf32, #tpu.memory_space<hbm>>
    %dma_wait3A_456 = arith.constant 0 : i32
    %dma_wait3A_457 = arith.constant 0 : i32
    %dma_wait3A_458 = tpu.memref_slice %arg7[%arg1, %dma_wait3A_453, %dma_wait3A_456, %dma_wait3A_457] : memref<16x5x80x128xf32, #tpu.memory_space<vmem_shared>> -> memref<1x1x80x128xf32, #tpu.memory_space<vmem_shared>>
    %dma_wait3A_459 = tpu.memref_squeeze %dma_wait3A_458 : memref<1x1x80x128xf32, #tpu.memory_space<vmem_shared>> -> memref<80x128xf32, #tpu.memory_space<vmem_shared>>
    tpu.wait_dma2 semaphore(%arg19 : memref<!tpu.dma_semaphore, #tpu.memory_space<semaphore_mem>>) src(%dma_wait3A_459 : memref<80x128xf32, #tpu.memory_space<vmem_shared>>) dst(%dma_wait3A_455 : memref<80x128xf32, #tpu.memory_space<hbm>>)
    %dma_start3A_460 = arith.constant 1 : i32
    %dma_start3A_461 = arith.constant 1 : i32
    %dma_start3A_462 = arith.constant 0 : i32
    %dma_start3A_463 = arith.constant 0 : i32
    %dma_start3A_464 = tpu.memref_slice %arg6[%dma_start3A_460, %dma_start3A_462, %dma_start3A_463] : memref<5x80x128xf32, #tpu.memory_space<vmem>> -> memref<1x80x128xf32, #tpu.memory_space<vmem>>
    %dma_start3A_465 = tpu.memref_squeeze %dma_start3A_464 : memref<1x80x128xf32, #tpu.memory_space<vmem>> -> memref<80x128xf32, #tpu.memory_space<vmem>>
    %dma_start3A_466 = arith.constant 0 : i32
    %dma_start3A_467 = arith.constant 0 : i32
    %dma_start3A_468 = tpu.memref_slice %arg7[%arg1, %dma_start3A_461, %dma_start3A_466, %dma_start3A_467] : memref<16x5x80x128xf32, #tpu.memory_space<vmem_shared>> -> memref<1x1x80x128xf32, #tpu.memory_space<vmem_shared>>
    %dma_start3A_469 = tpu.memref_squeeze %dma_start3A_468 : memref<1x1x80x128xf32, #tpu.memory_space<vmem_shared>> -> memref<80x128xf32, #tpu.memory_space<vmem_shared>>
    %dma_start3A_470 = arith.constant 0 : i32
    %dma_start3A_471 = arith.constant 0 : i32
    %dma_start3A_472 = tpu.memref_slice %arg7[%arg1, %dma_start3A_461, %dma_start3A_470, %dma_start3A_471] : memref<16x5x80x128xf32, #tpu.memory_space<vmem_shared>> -> memref<1x1x80x128xf32, #tpu.memory_space<vmem_shared>>
    %dma_start3A_473 = tpu.memref_squeeze %dma_start3A_472 : memref<1x1x80x128xf32, #tpu.memory_space<vmem_shared>> -> memref<80x128xf32, #tpu.memory_space<vmem_shared>>
    %dma_start3A_474 = arith.constant 0 : i32
    %dma_start3A_475 = arith.constant 0 : i32
    %dma_start3A_476 = tpu.memref_slice %arg6[%dma_start3A_460, %dma_start3A_474, %dma_start3A_475] : memref<5x80x128xf32, #tpu.memory_space<vmem>> -> memref<1x80x128xf32, #tpu.memory_space<vmem>>
    %dma_start3A_477 = tpu.memref_squeeze %dma_start3A_476 : memref<1x80x128xf32, #tpu.memory_space<vmem>> -> memref<80x128xf32, #tpu.memory_space<vmem>>
    tpu.enqueue_dma source(%dma_start3A_477 : memref<80x128xf32, #tpu.memory_space<vmem>>) target(%dma_start3A_473 : memref<80x128xf32, #tpu.memory_space<vmem_shared>>) target_semaphore(%arg14 : memref<!tpu.dma_semaphore, #tpu.memory_space<semaphore_mem>>)
    %dma_wait3A_478 = arith.constant 0 : i32
    %dma_wait3A_479 = arith.constant 0 : i32
    %dma_wait3A_480 = arith.constant 0 : i32
    %dma_wait3A_481 = arith.constant 0 : i32
    %dma_wait3A_482 = tpu.memref_slice %arg6[%dma_wait3A_478, %dma_wait3A_480, %dma_wait3A_481] : memref<5x80x128xf32, #tpu.memory_space<vmem>> -> memref<1x80x128xf32, #tpu.memory_space<vmem>>
    %dma_wait3A_483 = tpu.memref_squeeze %dma_wait3A_482 : memref<1x80x128xf32, #tpu.memory_space<vmem>> -> memref<80x128xf32, #tpu.memory_space<vmem>>
    %dma_wait3A_484 = arith.constant 0 : i32
    %dma_wait3A_485 = arith.constant 0 : i32
    %dma_wait3A_486 = tpu.memref_slice %arg7[%arg1, %dma_wait3A_479, %dma_wait3A_484, %dma_wait3A_485] : memref<16x5x80x128xf32, #tpu.memory_space<vmem_shared>> -> memref<1x1x80x128xf32, #tpu.memory_space<vmem_shared>>
    %dma_wait3A_487 = tpu.memref_squeeze %dma_wait3A_486 : memref<1x1x80x128xf32, #tpu.memory_space<vmem_shared>> -> memref<80x128xf32, #tpu.memory_space<vmem_shared>>
    %dma_wait3A_488 = arith.constant 0 : i32
    %dma_wait3A_489 = arith.constant 0 : i32
    %dma_wait3A_490 = tpu.memref_slice %arg7[%arg1, %dma_wait3A_479, %dma_wait3A_488, %dma_wait3A_489] : memref<16x5x80x128xf32, #tpu.memory_space<vmem_shared>> -> memref<1x1x80x128xf32, #tpu.memory_space<vmem_shared>>
    %dma_wait3A_491 = tpu.memref_squeeze %dma_wait3A_490 : memref<1x1x80x128xf32, #tpu.memory_space<vmem_shared>> -> memref<80x128xf32, #tpu.memory_space<vmem_shared>>
    %dma_wait3A_492 = arith.constant 0 : i32
    %dma_wait3A_493 = arith.constant 0 : i32
    %dma_wait3A_494 = tpu.memref_slice %arg6[%dma_wait3A_478, %dma_wait3A_492, %dma_wait3A_493] : memref<5x80x128xf32, #tpu.memory_space<vmem>> -> memref<1x80x128xf32, #tpu.memory_space<vmem>>
    %dma_wait3A_495 = tpu.memref_squeeze %dma_wait3A_494 : memref<1x80x128xf32, #tpu.memory_space<vmem>> -> memref<80x128xf32, #tpu.memory_space<vmem>>
    tpu.wait_dma2 semaphore(%arg13 : memref<!tpu.dma_semaphore, #tpu.memory_space<semaphore_mem>>) src(%dma_wait3A_495 : memref<80x128xf32, #tpu.memory_space<vmem>>) dst(%dma_wait3A_491 : memref<80x128xf32, #tpu.memory_space<vmem_shared>>)
    %multiple_of3A_496 = arith.constant 25200 : i32
    %multiple_of3A_497 = tpu.assume_multiple %multiple_of3A_496, 8 : i32
    %add3A_498 = arith.addi %mul3A_2, %multiple_of3A_497 : i32
    %dma_start3A_499 = arith.constant 0 : i32
    %dma_start3A_500 = arith.constant 0 : i32
    %dma_start3A_501 = tpu.memref_slice %arg4[%add3A_498, %dma_start3A_500] : memref<819200x128xf32, #tpu.memory_space<hbm>> -> memref<80x128xf32, #tpu.memory_space<hbm>>
    %dma_start3A_502 = arith.constant 0 : i32
    %dma_start3A_503 = arith.constant 0 : i32
    %dma_start3A_504 = tpu.memref_slice %arg7[%arg1, %dma_start3A_499, %dma_start3A_502, %dma_start3A_503] : memref<16x5x80x128xf32, #tpu.memory_space<vmem_shared>> -> memref<1x1x80x128xf32, #tpu.memory_space<vmem_shared>>
    %dma_start3A_505 = tpu.memref_squeeze %dma_start3A_504 : memref<1x1x80x128xf32, #tpu.memory_space<vmem_shared>> -> memref<80x128xf32, #tpu.memory_space<vmem_shared>>
    tpu.enqueue_dma source(%dma_start3A_505 : memref<80x128xf32, #tpu.memory_space<vmem_shared>>) target(%dma_start3A_501 : memref<80x128xf32, #tpu.memory_space<hbm>>) target_semaphore(%arg18 : memref<!tpu.dma_semaphore, #tpu.memory_space<semaphore_mem>>)
    %multiple_of3A_506 = arith.constant 25360 : i32
    %multiple_of3A_507 = tpu.assume_multiple %multiple_of3A_506, 8 : i32
    %dma_wait3A_508 = arith.constant 2 : i32
    %dma_wait3A_509 = arith.constant 0 : i32
    %dma_wait3A_510 = arith.constant 0 : i32
    %dma_wait3A_511 = tpu.memref_slice %arg6[%dma_wait3A_508, %dma_wait3A_509, %dma_wait3A_510] : memref<5x80x128xf32, #tpu.memory_space<vmem>> -> memref<1x80x128xf32, #tpu.memory_space<vmem>>
    %dma_wait3A_512 = tpu.memref_squeeze %dma_wait3A_511 : memref<1x80x128xf32, #tpu.memory_space<vmem>> -> memref<80x128xf32, #tpu.memory_space<vmem>>
    %dma_wait3A_513 = tpu.memref_slice %arg5[%multiple_of3A_507] : memref<25600xi32, #tpu.memory_space<vmem>> -> memref<80xi32, #tpu.memory_space<vmem>>
    %dma_wait3A_514 = arith.constant 0 : i32
    %dma_wait3A_515 = arith.constant 0 : i32
    %dma_wait3A_516 = tpu.memref_slice %arg3[%dma_wait3A_514, %dma_wait3A_515] : memref<100000x128xf32, #tpu.memory_space<hbm>> -> memref<100000x128xf32, #tpu.memory_space<hbm>>
    tpu.wait_indirect_dma semaphore(%arg10 : memref<!tpu.dma_semaphore, #tpu.memory_space<semaphore_mem>>) src(%dma_wait3A_516 : memref<100000x128xf32, #tpu.memory_space<hbm>>) dst(%dma_wait3A_512 : memref<80x128xf32, #tpu.memory_space<vmem>>)
    %multiple_of3A_517 = arith.constant 24960 : i32
    %multiple_of3A_518 = tpu.assume_multiple %multiple_of3A_517, 8 : i32
    %add3A_519 = arith.addi %mul3A_2, %multiple_of3A_518 : i32
    %dma_wait3A_520 = arith.constant 2 : i32
    %dma_wait3A_521 = arith.constant 0 : i32
    %dma_wait3A_522 = tpu.memref_slice %arg4[%add3A_519, %dma_wait3A_521] : memref<819200x128xf32, #tpu.memory_space<hbm>> -> memref<80x128xf32, #tpu.memory_space<hbm>>
    %dma_wait3A_523 = arith.constant 0 : i32
    %dma_wait3A_524 = arith.constant 0 : i32
    %dma_wait3A_525 = tpu.memref_slice %arg7[%arg1, %dma_wait3A_520, %dma_wait3A_523, %dma_wait3A_524] : memref<16x5x80x128xf32, #tpu.memory_space<vmem_shared>> -> memref<1x1x80x128xf32, #tpu.memory_space<vmem_shared>>
    %dma_wait3A_526 = tpu.memref_squeeze %dma_wait3A_525 : memref<1x1x80x128xf32, #tpu.memory_space<vmem_shared>> -> memref<80x128xf32, #tpu.memory_space<vmem_shared>>
    tpu.wait_dma2 semaphore(%arg20 : memref<!tpu.dma_semaphore, #tpu.memory_space<semaphore_mem>>) src(%dma_wait3A_526 : memref<80x128xf32, #tpu.memory_space<vmem_shared>>) dst(%dma_wait3A_522 : memref<80x128xf32, #tpu.memory_space<hbm>>)
    %dma_start3A_527 = arith.constant 2 : i32
    %dma_start3A_528 = arith.constant 2 : i32
    %dma_start3A_529 = arith.constant 0 : i32
    %dma_start3A_530 = arith.constant 0 : i32
    %dma_start3A_531 = tpu.memref_slice %arg6[%dma_start3A_527, %dma_start3A_529, %dma_start3A_530] : memref<5x80x128xf32, #tpu.memory_space<vmem>> -> memref<1x80x128xf32, #tpu.memory_space<vmem>>
    %dma_start3A_532 = tpu.memref_squeeze %dma_start3A_531 : memref<1x80x128xf32, #tpu.memory_space<vmem>> -> memref<80x128xf32, #tpu.memory_space<vmem>>
    %dma_start3A_533 = arith.constant 0 : i32
    %dma_start3A_534 = arith.constant 0 : i32
    %dma_start3A_535 = tpu.memref_slice %arg7[%arg1, %dma_start3A_528, %dma_start3A_533, %dma_start3A_534] : memref<16x5x80x128xf32, #tpu.memory_space<vmem_shared>> -> memref<1x1x80x128xf32, #tpu.memory_space<vmem_shared>>
    %dma_start3A_536 = tpu.memref_squeeze %dma_start3A_535 : memref<1x1x80x128xf32, #tpu.memory_space<vmem_shared>> -> memref<80x128xf32, #tpu.memory_space<vmem_shared>>
    %dma_start3A_537 = arith.constant 0 : i32
    %dma_start3A_538 = arith.constant 0 : i32
    %dma_start3A_539 = tpu.memref_slice %arg7[%arg1, %dma_start3A_528, %dma_start3A_537, %dma_start3A_538] : memref<16x5x80x128xf32, #tpu.memory_space<vmem_shared>> -> memref<1x1x80x128xf32, #tpu.memory_space<vmem_shared>>
    %dma_start3A_540 = tpu.memref_squeeze %dma_start3A_539 : memref<1x1x80x128xf32, #tpu.memory_space<vmem_shared>> -> memref<80x128xf32, #tpu.memory_space<vmem_shared>>
    %dma_start3A_541 = arith.constant 0 : i32
    %dma_start3A_542 = arith.constant 0 : i32
    %dma_start3A_543 = tpu.memref_slice %arg6[%dma_start3A_527, %dma_start3A_541, %dma_start3A_542] : memref<5x80x128xf32, #tpu.memory_space<vmem>> -> memref<1x80x128xf32, #tpu.memory_space<vmem>>
    %dma_start3A_544 = tpu.memref_squeeze %dma_start3A_543 : memref<1x80x128xf32, #tpu.memory_space<vmem>> -> memref<80x128xf32, #tpu.memory_space<vmem>>
    tpu.enqueue_dma source(%dma_start3A_544 : memref<80x128xf32, #tpu.memory_space<vmem>>) target(%dma_start3A_540 : memref<80x128xf32, #tpu.memory_space<vmem_shared>>) target_semaphore(%arg15 : memref<!tpu.dma_semaphore, #tpu.memory_space<semaphore_mem>>)
    %dma_wait3A_545 = arith.constant 1 : i32
    %dma_wait3A_546 = arith.constant 1 : i32
    %dma_wait3A_547 = arith.constant 0 : i32
    %dma_wait3A_548 = arith.constant 0 : i32
    %dma_wait3A_549 = tpu.memref_slice %arg6[%dma_wait3A_545, %dma_wait3A_547, %dma_wait3A_548] : memref<5x80x128xf32, #tpu.memory_space<vmem>> -> memref<1x80x128xf32, #tpu.memory_space<vmem>>
    %dma_wait3A_550 = tpu.memref_squeeze %dma_wait3A_549 : memref<1x80x128xf32, #tpu.memory_space<vmem>> -> memref<80x128xf32, #tpu.memory_space<vmem>>
    %dma_wait3A_551 = arith.constant 0 : i32
    %dma_wait3A_552 = arith.constant 0 : i32
    %dma_wait3A_553 = tpu.memref_slice %arg7[%arg1, %dma_wait3A_546, %dma_wait3A_551, %dma_wait3A_552] : memref<16x5x80x128xf32, #tpu.memory_space<vmem_shared>> -> memref<1x1x80x128xf32, #tpu.memory_space<vmem_shared>>
    %dma_wait3A_554 = tpu.memref_squeeze %dma_wait3A_553 : memref<1x1x80x128xf32, #tpu.memory_space<vmem_shared>> -> memref<80x128xf32, #tpu.memory_space<vmem_shared>>
    %dma_wait3A_555 = arith.constant 0 : i32
    %dma_wait3A_556 = arith.constant 0 : i32
    %dma_wait3A_557 = tpu.memref_slice %arg7[%arg1, %dma_wait3A_546, %dma_wait3A_555, %dma_wait3A_556] : memref<16x5x80x128xf32, #tpu.memory_space<vmem_shared>> -> memref<1x1x80x128xf32, #tpu.memory_space<vmem_shared>>
    %dma_wait3A_558 = tpu.memref_squeeze %dma_wait3A_557 : memref<1x1x80x128xf32, #tpu.memory_space<vmem_shared>> -> memref<80x128xf32, #tpu.memory_space<vmem_shared>>
    %dma_wait3A_559 = arith.constant 0 : i32
    %dma_wait3A_560 = arith.constant 0 : i32
    %dma_wait3A_561 = tpu.memref_slice %arg6[%dma_wait3A_545, %dma_wait3A_559, %dma_wait3A_560] : memref<5x80x128xf32, #tpu.memory_space<vmem>> -> memref<1x80x128xf32, #tpu.memory_space<vmem>>
    %dma_wait3A_562 = tpu.memref_squeeze %dma_wait3A_561 : memref<1x80x128xf32, #tpu.memory_space<vmem>> -> memref<80x128xf32, #tpu.memory_space<vmem>>
    tpu.wait_dma2 semaphore(%arg14 : memref<!tpu.dma_semaphore, #tpu.memory_space<semaphore_mem>>) src(%dma_wait3A_562 : memref<80x128xf32, #tpu.memory_space<vmem>>) dst(%dma_wait3A_558 : memref<80x128xf32, #tpu.memory_space<vmem_shared>>)
    %multiple_of3A_563 = arith.constant 25280 : i32
    %multiple_of3A_564 = tpu.assume_multiple %multiple_of3A_563, 8 : i32
    %add3A_565 = arith.addi %mul3A_2, %multiple_of3A_564 : i32
    %dma_start3A_566 = arith.constant 1 : i32
    %dma_start3A_567 = arith.constant 0 : i32
    %dma_start3A_568 = tpu.memref_slice %arg4[%add3A_565, %dma_start3A_567] : memref<819200x128xf32, #tpu.memory_space<hbm>> -> memref<80x128xf32, #tpu.memory_space<hbm>>
    %dma_start3A_569 = arith.constant 0 : i32
    %dma_start3A_570 = arith.constant 0 : i32
    %dma_start3A_571 = tpu.memref_slice %arg7[%arg1, %dma_start3A_566, %dma_start3A_569, %dma_start3A_570] : memref<16x5x80x128xf32, #tpu.memory_space<vmem_shared>> -> memref<1x1x80x128xf32, #tpu.memory_space<vmem_shared>>
    %dma_start3A_572 = tpu.memref_squeeze %dma_start3A_571 : memref<1x1x80x128xf32, #tpu.memory_space<vmem_shared>> -> memref<80x128xf32, #tpu.memory_space<vmem_shared>>
    tpu.enqueue_dma source(%dma_start3A_572 : memref<80x128xf32, #tpu.memory_space<vmem_shared>>) target(%dma_start3A_568 : memref<80x128xf32, #tpu.memory_space<hbm>>) target_semaphore(%arg19 : memref<!tpu.dma_semaphore, #tpu.memory_space<semaphore_mem>>)
    %multiple_of3A_573 = arith.constant 25440 : i32
    %multiple_of3A_574 = tpu.assume_multiple %multiple_of3A_573, 8 : i32
    %dma_wait3A_575 = arith.constant 3 : i32
    %dma_wait3A_576 = arith.constant 0 : i32
    %dma_wait3A_577 = arith.constant 0 : i32
    %dma_wait3A_578 = tpu.memref_slice %arg6[%dma_wait3A_575, %dma_wait3A_576, %dma_wait3A_577] : memref<5x80x128xf32, #tpu.memory_space<vmem>> -> memref<1x80x128xf32, #tpu.memory_space<vmem>>
    %dma_wait3A_579 = tpu.memref_squeeze %dma_wait3A_578 : memref<1x80x128xf32, #tpu.memory_space<vmem>> -> memref<80x128xf32, #tpu.memory_space<vmem>>
    %dma_wait3A_580 = tpu.memref_slice %arg5[%multiple_of3A_574] : memref<25600xi32, #tpu.memory_space<vmem>> -> memref<80xi32, #tpu.memory_space<vmem>>
    %dma_wait3A_581 = arith.constant 0 : i32
    %dma_wait3A_582 = arith.constant 0 : i32
    %dma_wait3A_583 = tpu.memref_slice %arg3[%dma_wait3A_581, %dma_wait3A_582] : memref<100000x128xf32, #tpu.memory_space<hbm>> -> memref<100000x128xf32, #tpu.memory_space<hbm>>
    tpu.wait_indirect_dma semaphore(%arg11 : memref<!tpu.dma_semaphore, #tpu.memory_space<semaphore_mem>>) src(%dma_wait3A_583 : memref<100000x128xf32, #tpu.memory_space<hbm>>) dst(%dma_wait3A_579 : memref<80x128xf32, #tpu.memory_space<vmem>>)
    %multiple_of3A_584 = arith.constant 25040 : i32
    %multiple_of3A_585 = tpu.assume_multiple %multiple_of3A_584, 8 : i32
    %add3A_586 = arith.addi %mul3A_2, %multiple_of3A_585 : i32
    %dma_wait3A_587 = arith.constant 3 : i32
    %dma_wait3A_588 = arith.constant 0 : i32
    %dma_wait3A_589 = tpu.memref_slice %arg4[%add3A_586, %dma_wait3A_588] : memref<819200x128xf32, #tpu.memory_space<hbm>> -> memref<80x128xf32, #tpu.memory_space<hbm>>
    %dma_wait3A_590 = arith.constant 0 : i32
    %dma_wait3A_591 = arith.constant 0 : i32
    %dma_wait3A_592 = tpu.memref_slice %arg7[%arg1, %dma_wait3A_587, %dma_wait3A_590, %dma_wait3A_591] : memref<16x5x80x128xf32, #tpu.memory_space<vmem_shared>> -> memref<1x1x80x128xf32, #tpu.memory_space<vmem_shared>>
    %dma_wait3A_593 = tpu.memref_squeeze %dma_wait3A_592 : memref<1x1x80x128xf32, #tpu.memory_space<vmem_shared>> -> memref<80x128xf32, #tpu.memory_space<vmem_shared>>
    tpu.wait_dma2 semaphore(%arg21 : memref<!tpu.dma_semaphore, #tpu.memory_space<semaphore_mem>>) src(%dma_wait3A_593 : memref<80x128xf32, #tpu.memory_space<vmem_shared>>) dst(%dma_wait3A_589 : memref<80x128xf32, #tpu.memory_space<hbm>>)
    %dma_start3A_594 = arith.constant 3 : i32
    %dma_start3A_595 = arith.constant 3 : i32
    %dma_start3A_596 = arith.constant 0 : i32
    %dma_start3A_597 = arith.constant 0 : i32
    %dma_start3A_598 = tpu.memref_slice %arg6[%dma_start3A_594, %dma_start3A_596, %dma_start3A_597] : memref<5x80x128xf32, #tpu.memory_space<vmem>> -> memref<1x80x128xf32, #tpu.memory_space<vmem>>
    %dma_start3A_599 = tpu.memref_squeeze %dma_start3A_598 : memref<1x80x128xf32, #tpu.memory_space<vmem>> -> memref<80x128xf32, #tpu.memory_space<vmem>>
    %dma_start3A_600 = arith.constant 0 : i32
    %dma_start3A_601 = arith.constant 0 : i32
    %dma_start3A_602 = tpu.memref_slice %arg7[%arg1, %dma_start3A_595, %dma_start3A_600, %dma_start3A_601] : memref<16x5x80x128xf32, #tpu.memory_space<vmem_shared>> -> memref<1x1x80x128xf32, #tpu.memory_space<vmem_shared>>
    %dma_start3A_603 = tpu.memref_squeeze %dma_start3A_602 : memref<1x1x80x128xf32, #tpu.memory_space<vmem_shared>> -> memref<80x128xf32, #tpu.memory_space<vmem_shared>>
    %dma_start3A_604 = arith.constant 0 : i32
    %dma_start3A_605 = arith.constant 0 : i32
    %dma_start3A_606 = tpu.memref_slice %arg7[%arg1, %dma_start3A_595, %dma_start3A_604, %dma_start3A_605] : memref<16x5x80x128xf32, #tpu.memory_space<vmem_shared>> -> memref<1x1x80x128xf32, #tpu.memory_space<vmem_shared>>
    %dma_start3A_607 = tpu.memref_squeeze %dma_start3A_606 : memref<1x1x80x128xf32, #tpu.memory_space<vmem_shared>> -> memref<80x128xf32, #tpu.memory_space<vmem_shared>>
    %dma_start3A_608 = arith.constant 0 : i32
    %dma_start3A_609 = arith.constant 0 : i32
    %dma_start3A_610 = tpu.memref_slice %arg6[%dma_start3A_594, %dma_start3A_608, %dma_start3A_609] : memref<5x80x128xf32, #tpu.memory_space<vmem>> -> memref<1x80x128xf32, #tpu.memory_space<vmem>>
    %dma_start3A_611 = tpu.memref_squeeze %dma_start3A_610 : memref<1x80x128xf32, #tpu.memory_space<vmem>> -> memref<80x128xf32, #tpu.memory_space<vmem>>
    tpu.enqueue_dma source(%dma_start3A_611 : memref<80x128xf32, #tpu.memory_space<vmem>>) target(%dma_start3A_607 : memref<80x128xf32, #tpu.memory_space<vmem_shared>>) target_semaphore(%arg16 : memref<!tpu.dma_semaphore, #tpu.memory_space<semaphore_mem>>)
    %dma_wait3A_612 = arith.constant 2 : i32
    %dma_wait3A_613 = arith.constant 2 : i32
    %dma_wait3A_614 = arith.constant 0 : i32
    %dma_wait3A_615 = arith.constant 0 : i32
    %dma_wait3A_616 = tpu.memref_slice %arg6[%dma_wait3A_612, %dma_wait3A_614, %dma_wait3A_615] : memref<5x80x128xf32, #tpu.memory_space<vmem>> -> memref<1x80x128xf32, #tpu.memory_space<vmem>>
    %dma_wait3A_617 = tpu.memref_squeeze %dma_wait3A_616 : memref<1x80x128xf32, #tpu.memory_space<vmem>> -> memref<80x128xf32, #tpu.memory_space<vmem>>
    %dma_wait3A_618 = arith.constant 0 : i32
    %dma_wait3A_619 = arith.constant 0 : i32
    %dma_wait3A_620 = tpu.memref_slice %arg7[%arg1, %dma_wait3A_613, %dma_wait3A_618, %dma_wait3A_619] : memref<16x5x80x128xf32, #tpu.memory_space<vmem_shared>> -> memref<1x1x80x128xf32, #tpu.memory_space<vmem_shared>>
    %dma_wait3A_621 = tpu.memref_squeeze %dma_wait3A_620 : memref<1x1x80x128xf32, #tpu.memory_space<vmem_shared>> -> memref<80x128xf32, #tpu.memory_space<vmem_shared>>
    %dma_wait3A_622 = arith.constant 0 : i32
    %dma_wait3A_623 = arith.constant 0 : i32
    %dma_wait3A_624 = tpu.memref_slice %arg7[%arg1, %dma_wait3A_613, %dma_wait3A_622, %dma_wait3A_623] : memref<16x5x80x128xf32, #tpu.memory_space<vmem_shared>> -> memref<1x1x80x128xf32, #tpu.memory_space<vmem_shared>>
    %dma_wait3A_625 = tpu.memref_squeeze %dma_wait3A_624 : memref<1x1x80x128xf32, #tpu.memory_space<vmem_shared>> -> memref<80x128xf32, #tpu.memory_space<vmem_shared>>
    %dma_wait3A_626 = arith.constant 0 : i32
    %dma_wait3A_627 = arith.constant 0 : i32
    %dma_wait3A_628 = tpu.memref_slice %arg6[%dma_wait3A_612, %dma_wait3A_626, %dma_wait3A_627] : memref<5x80x128xf32, #tpu.memory_space<vmem>> -> memref<1x80x128xf32, #tpu.memory_space<vmem>>
    %dma_wait3A_629 = tpu.memref_squeeze %dma_wait3A_628 : memref<1x80x128xf32, #tpu.memory_space<vmem>> -> memref<80x128xf32, #tpu.memory_space<vmem>>
    tpu.wait_dma2 semaphore(%arg15 : memref<!tpu.dma_semaphore, #tpu.memory_space<semaphore_mem>>) src(%dma_wait3A_629 : memref<80x128xf32, #tpu.memory_space<vmem>>) dst(%dma_wait3A_625 : memref<80x128xf32, #tpu.memory_space<vmem_shared>>)
    %multiple_of3A_630 = arith.constant 25360 : i32
    %multiple_of3A_631 = tpu.assume_multiple %multiple_of3A_630, 8 : i32
    %add3A_632 = arith.addi %mul3A_2, %multiple_of3A_631 : i32
    %dma_start3A_633 = arith.constant 2 : i32
    %dma_start3A_634 = arith.constant 0 : i32
    %dma_start3A_635 = tpu.memref_slice %arg4[%add3A_632, %dma_start3A_634] : memref<819200x128xf32, #tpu.memory_space<hbm>> -> memref<80x128xf32, #tpu.memory_space<hbm>>
    %dma_start3A_636 = arith.constant 0 : i32
    %dma_start3A_637 = arith.constant 0 : i32
    %dma_start3A_638 = tpu.memref_slice %arg7[%arg1, %dma_start3A_633, %dma_start3A_636, %dma_start3A_637] : memref<16x5x80x128xf32, #tpu.memory_space<vmem_shared>> -> memref<1x1x80x128xf32, #tpu.memory_space<vmem_shared>>
    %dma_start3A_639 = tpu.memref_squeeze %dma_start3A_638 : memref<1x1x80x128xf32, #tpu.memory_space<vmem_shared>> -> memref<80x128xf32, #tpu.memory_space<vmem_shared>>
    tpu.enqueue_dma source(%dma_start3A_639 : memref<80x128xf32, #tpu.memory_space<vmem_shared>>) target(%dma_start3A_635 : memref<80x128xf32, #tpu.memory_space<hbm>>) target_semaphore(%arg20 : memref<!tpu.dma_semaphore, #tpu.memory_space<semaphore_mem>>)
    %multiple_of3A_640 = arith.constant 25520 : i32
    %multiple_of3A_641 = tpu.assume_multiple %multiple_of3A_640, 8 : i32
    %dma_wait3A_642 = arith.constant 4 : i32
    %dma_wait3A_643 = arith.constant 0 : i32
    %dma_wait3A_644 = arith.constant 0 : i32
    %dma_wait3A_645 = tpu.memref_slice %arg6[%dma_wait3A_642, %dma_wait3A_643, %dma_wait3A_644] : memref<5x80x128xf32, #tpu.memory_space<vmem>> -> memref<1x80x128xf32, #tpu.memory_space<vmem>>
    %dma_wait3A_646 = tpu.memref_squeeze %dma_wait3A_645 : memref<1x80x128xf32, #tpu.memory_space<vmem>> -> memref<80x128xf32, #tpu.memory_space<vmem>>
    %dma_wait3A_647 = tpu.memref_slice %arg5[%multiple_of3A_641] : memref<25600xi32, #tpu.memory_space<vmem>> -> memref<80xi32, #tpu.memory_space<vmem>>
    %dma_wait3A_648 = arith.constant 0 : i32
    %dma_wait3A_649 = arith.constant 0 : i32
    %dma_wait3A_650 = tpu.memref_slice %arg3[%dma_wait3A_648, %dma_wait3A_649] : memref<100000x128xf32, #tpu.memory_space<hbm>> -> memref<100000x128xf32, #tpu.memory_space<hbm>>
    tpu.wait_indirect_dma semaphore(%arg12 : memref<!tpu.dma_semaphore, #tpu.memory_space<semaphore_mem>>) src(%dma_wait3A_650 : memref<100000x128xf32, #tpu.memory_space<hbm>>) dst(%dma_wait3A_646 : memref<80x128xf32, #tpu.memory_space<vmem>>)
    %multiple_of3A_651 = arith.constant 25120 : i32
    %multiple_of3A_652 = tpu.assume_multiple %multiple_of3A_651, 8 : i32
    %add3A_653 = arith.addi %mul3A_2, %multiple_of3A_652 : i32
    %dma_wait3A_654 = arith.constant 4 : i32
    %dma_wait3A_655 = arith.constant 0 : i32
    %dma_wait3A_656 = tpu.memref_slice %arg4[%add3A_653, %dma_wait3A_655] : memref<819200x128xf32, #tpu.memory_space<hbm>> -> memref<80x128xf32, #tpu.memory_space<hbm>>
    %dma_wait3A_657 = arith.constant 0 : i32
    %dma_wait3A_658 = arith.constant 0 : i32
    %dma_wait3A_659 = tpu.memref_slice %arg7[%arg1, %dma_wait3A_654, %dma_wait3A_657, %dma_wait3A_658] : memref<16x5x80x128xf32, #tpu.memory_space<vmem_shared>> -> memref<1x1x80x128xf32, #tpu.memory_space<vmem_shared>>
    %dma_wait3A_660 = tpu.memref_squeeze %dma_wait3A_659 : memref<1x1x80x128xf32, #tpu.memory_space<vmem_shared>> -> memref<80x128xf32, #tpu.memory_space<vmem_shared>>
    tpu.wait_dma2 semaphore(%arg22 : memref<!tpu.dma_semaphore, #tpu.memory_space<semaphore_mem>>) src(%dma_wait3A_660 : memref<80x128xf32, #tpu.memory_space<vmem_shared>>) dst(%dma_wait3A_656 : memref<80x128xf32, #tpu.memory_space<hbm>>)
    %dma_start3A_661 = arith.constant 4 : i32
    %dma_start3A_662 = arith.constant 4 : i32
    %dma_start3A_663 = arith.constant 0 : i32
    %dma_start3A_664 = arith.constant 0 : i32
    %dma_start3A_665 = tpu.memref_slice %arg6[%dma_start3A_661, %dma_start3A_663, %dma_start3A_664] : memref<5x80x128xf32, #tpu.memory_space<vmem>> -> memref<1x80x128xf32, #tpu.memory_space<vmem>>
    %dma_start3A_666 = tpu.memref_squeeze %dma_start3A_665 : memref<1x80x128xf32, #tpu.memory_space<vmem>> -> memref<80x128xf32, #tpu.memory_space<vmem>>
    %dma_start3A_667 = arith.constant 0 : i32
    %dma_start3A_668 = arith.constant 0 : i32
    %dma_start3A_669 = tpu.memref_slice %arg7[%arg1, %dma_start3A_662, %dma_start3A_667, %dma_start3A_668] : memref<16x5x80x128xf32, #tpu.memory_space<vmem_shared>> -> memref<1x1x80x128xf32, #tpu.memory_space<vmem_shared>>
    %dma_start3A_670 = tpu.memref_squeeze %dma_start3A_669 : memref<1x1x80x128xf32, #tpu.memory_space<vmem_shared>> -> memref<80x128xf32, #tpu.memory_space<vmem_shared>>
    %dma_start3A_671 = arith.constant 0 : i32
    %dma_start3A_672 = arith.constant 0 : i32
    %dma_start3A_673 = tpu.memref_slice %arg7[%arg1, %dma_start3A_662, %dma_start3A_671, %dma_start3A_672] : memref<16x5x80x128xf32, #tpu.memory_space<vmem_shared>> -> memref<1x1x80x128xf32, #tpu.memory_space<vmem_shared>>
    %dma_start3A_674 = tpu.memref_squeeze %dma_start3A_673 : memref<1x1x80x128xf32, #tpu.memory_space<vmem_shared>> -> memref<80x128xf32, #tpu.memory_space<vmem_shared>>
    %dma_start3A_675 = arith.constant 0 : i32
    %dma_start3A_676 = arith.constant 0 : i32
    %dma_start3A_677 = tpu.memref_slice %arg6[%dma_start3A_661, %dma_start3A_675, %dma_start3A_676] : memref<5x80x128xf32, #tpu.memory_space<vmem>> -> memref<1x80x128xf32, #tpu.memory_space<vmem>>
    %dma_start3A_678 = tpu.memref_squeeze %dma_start3A_677 : memref<1x80x128xf32, #tpu.memory_space<vmem>> -> memref<80x128xf32, #tpu.memory_space<vmem>>
    tpu.enqueue_dma source(%dma_start3A_678 : memref<80x128xf32, #tpu.memory_space<vmem>>) target(%dma_start3A_674 : memref<80x128xf32, #tpu.memory_space<vmem_shared>>) target_semaphore(%arg17 : memref<!tpu.dma_semaphore, #tpu.memory_space<semaphore_mem>>)
    %dma_wait3A_679 = arith.constant 3 : i32
    %dma_wait3A_680 = arith.constant 3 : i32
    %dma_wait3A_681 = arith.constant 0 : i32
    %dma_wait3A_682 = arith.constant 0 : i32
    %dma_wait3A_683 = tpu.memref_slice %arg6[%dma_wait3A_679, %dma_wait3A_681, %dma_wait3A_682] : memref<5x80x128xf32, #tpu.memory_space<vmem>> -> memref<1x80x128xf32, #tpu.memory_space<vmem>>
    %dma_wait3A_684 = tpu.memref_squeeze %dma_wait3A_683 : memref<1x80x128xf32, #tpu.memory_space<vmem>> -> memref<80x128xf32, #tpu.memory_space<vmem>>
    %dma_wait3A_685 = arith.constant 0 : i32
    %dma_wait3A_686 = arith.constant 0 : i32
    %dma_wait3A_687 = tpu.memref_slice %arg7[%arg1, %dma_wait3A_680, %dma_wait3A_685, %dma_wait3A_686] : memref<16x5x80x128xf32, #tpu.memory_space<vmem_shared>> -> memref<1x1x80x128xf32, #tpu.memory_space<vmem_shared>>
    %dma_wait3A_688 = tpu.memref_squeeze %dma_wait3A_687 : memref<1x1x80x128xf32, #tpu.memory_space<vmem_shared>> -> memref<80x128xf32, #tpu.memory_space<vmem_shared>>
    %dma_wait3A_689 = arith.constant 0 : i32
    %dma_wait3A_690 = arith.constant 0 : i32
    %dma_wait3A_691 = tpu.memref_slice %arg7[%arg1, %dma_wait3A_680, %dma_wait3A_689, %dma_wait3A_690] : memref<16x5x80x128xf32, #tpu.memory_space<vmem_shared>> -> memref<1x1x80x128xf32, #tpu.memory_space<vmem_shared>>
    %dma_wait3A_692 = tpu.memref_squeeze %dma_wait3A_691 : memref<1x1x80x128xf32, #tpu.memory_space<vmem_shared>> -> memref<80x128xf32, #tpu.memory_space<vmem_shared>>
    %dma_wait3A_693 = arith.constant 0 : i32
    %dma_wait3A_694 = arith.constant 0 : i32
    %dma_wait3A_695 = tpu.memref_slice %arg6[%dma_wait3A_679, %dma_wait3A_693, %dma_wait3A_694] : memref<5x80x128xf32, #tpu.memory_space<vmem>> -> memref<1x80x128xf32, #tpu.memory_space<vmem>>
    %dma_wait3A_696 = tpu.memref_squeeze %dma_wait3A_695 : memref<1x80x128xf32, #tpu.memory_space<vmem>> -> memref<80x128xf32, #tpu.memory_space<vmem>>
    tpu.wait_dma2 semaphore(%arg16 : memref<!tpu.dma_semaphore, #tpu.memory_space<semaphore_mem>>) src(%dma_wait3A_696 : memref<80x128xf32, #tpu.memory_space<vmem>>) dst(%dma_wait3A_692 : memref<80x128xf32, #tpu.memory_space<vmem_shared>>)
    %multiple_of3A_697 = arith.constant 25440 : i32
    %multiple_of3A_698 = tpu.assume_multiple %multiple_of3A_697, 8 : i32
    %add3A_699 = arith.addi %mul3A_2, %multiple_of3A_698 : i32
    %dma_start3A_700 = arith.constant 3 : i32
    %dma_start3A_701 = arith.constant 0 : i32
    %dma_start3A_702 = tpu.memref_slice %arg4[%add3A_699, %dma_start3A_701] : memref<819200x128xf32, #tpu.memory_space<hbm>> -> memref<80x128xf32, #tpu.memory_space<hbm>>
    %dma_start3A_703 = arith.constant 0 : i32
    %dma_start3A_704 = arith.constant 0 : i32
    %dma_start3A_705 = tpu.memref_slice %arg7[%arg1, %dma_start3A_700, %dma_start3A_703, %dma_start3A_704] : memref<16x5x80x128xf32, #tpu.memory_space<vmem_shared>> -> memref<1x1x80x128xf32, #tpu.memory_space<vmem_shared>>
    %dma_start3A_706 = tpu.memref_squeeze %dma_start3A_705 : memref<1x1x80x128xf32, #tpu.memory_space<vmem_shared>> -> memref<80x128xf32, #tpu.memory_space<vmem_shared>>
    tpu.enqueue_dma source(%dma_start3A_706 : memref<80x128xf32, #tpu.memory_space<vmem_shared>>) target(%dma_start3A_702 : memref<80x128xf32, #tpu.memory_space<hbm>>) target_semaphore(%arg21 : memref<!tpu.dma_semaphore, #tpu.memory_space<semaphore_mem>>)
    %dma_wait3A_707 = arith.constant 4 : i32
    %dma_wait3A_708 = arith.constant 4 : i32
    %dma_wait3A_709 = arith.constant 0 : i32
    %dma_wait3A_710 = arith.constant 0 : i32
    %dma_wait3A_711 = tpu.memref_slice %arg6[%dma_wait3A_707, %dma_wait3A_709, %dma_wait3A_710] : memref<5x80x128xf32, #tpu.memory_space<vmem>> -> memref<1x80x128xf32, #tpu.memory_space<vmem>>
    %dma_wait3A_712 = tpu.memref_squeeze %dma_wait3A_711 : memref<1x80x128xf32, #tpu.memory_space<vmem>> -> memref<80x128xf32, #tpu.memory_space<vmem>>
    %dma_wait3A_713 = arith.constant 0 : i32
    %dma_wait3A_714 = arith.constant 0 : i32
    %dma_wait3A_715 = tpu.memref_slice %arg7[%arg1, %dma_wait3A_708, %dma_wait3A_713, %dma_wait3A_714] : memref<16x5x80x128xf32, #tpu.memory_space<vmem_shared>> -> memref<1x1x80x128xf32, #tpu.memory_space<vmem_shared>>
    %dma_wait3A_716 = tpu.memref_squeeze %dma_wait3A_715 : memref<1x1x80x128xf32, #tpu.memory_space<vmem_shared>> -> memref<80x128xf32, #tpu.memory_space<vmem_shared>>
    %dma_wait3A_717 = arith.constant 0 : i32
    %dma_wait3A_718 = arith.constant 0 : i32
    %dma_wait3A_719 = tpu.memref_slice %arg7[%arg1, %dma_wait3A_708, %dma_wait3A_717, %dma_wait3A_718] : memref<16x5x80x128xf32, #tpu.memory_space<vmem_shared>> -> memref<1x1x80x128xf32, #tpu.memory_space<vmem_shared>>
    %dma_wait3A_720 = tpu.memref_squeeze %dma_wait3A_719 : memref<1x1x80x128xf32, #tpu.memory_space<vmem_shared>> -> memref<80x128xf32, #tpu.memory_space<vmem_shared>>
    %dma_wait3A_721 = arith.constant 0 : i32
    %dma_wait3A_722 = arith.constant 0 : i32
    %dma_wait3A_723 = tpu.memref_slice %arg6[%dma_wait3A_707, %dma_wait3A_721, %dma_wait3A_722] : memref<5x80x128xf32, #tpu.memory_space<vmem>> -> memref<1x80x128xf32, #tpu.memory_space<vmem>>
    %dma_wait3A_724 = tpu.memref_squeeze %dma_wait3A_723 : memref<1x80x128xf32, #tpu.memory_space<vmem>> -> memref<80x128xf32, #tpu.memory_space<vmem>>
    tpu.wait_dma2 semaphore(%arg17 : memref<!tpu.dma_semaphore, #tpu.memory_space<semaphore_mem>>) src(%dma_wait3A_724 : memref<80x128xf32, #tpu.memory_space<vmem>>) dst(%dma_wait3A_720 : memref<80x128xf32, #tpu.memory_space<vmem_shared>>)
    %multiple_of3A_725 = arith.constant 25520 : i32
    %multiple_of3A_726 = tpu.assume_multiple %multiple_of3A_725, 8 : i32
    %add3A_727 = arith.addi %mul3A_2, %multiple_of3A_726 : i32
    %dma_start3A_728 = arith.constant 4 : i32
    %dma_start3A_729 = arith.constant 0 : i32
    %dma_start3A_730 = tpu.memref_slice %arg4[%add3A_727, %dma_start3A_729] : memref<819200x128xf32, #tpu.memory_space<hbm>> -> memref<80x128xf32, #tpu.memory_space<hbm>>
    %dma_start3A_731 = arith.constant 0 : i32
    %dma_start3A_732 = arith.constant 0 : i32
    %dma_start3A_733 = tpu.memref_slice %arg7[%arg1, %dma_start3A_728, %dma_start3A_731, %dma_start3A_732] : memref<16x5x80x128xf32, #tpu.memory_space<vmem_shared>> -> memref<1x1x80x128xf32, #tpu.memory_space<vmem_shared>>
    %dma_start3A_734 = tpu.memref_squeeze %dma_start3A_733 : memref<1x1x80x128xf32, #tpu.memory_space<vmem_shared>> -> memref<80x128xf32, #tpu.memory_space<vmem_shared>>
    tpu.enqueue_dma source(%dma_start3A_734 : memref<80x128xf32, #tpu.memory_space<vmem_shared>>) target(%dma_start3A_730 : memref<80x128xf32, #tpu.memory_space<hbm>>) target_semaphore(%arg22 : memref<!tpu.dma_semaphore, #tpu.memory_space<semaphore_mem>>)
    %multiple_of3A_735 = arith.constant 25200 : i32
    %multiple_of3A_736 = tpu.assume_multiple %multiple_of3A_735, 8 : i32
    %add3A_737 = arith.addi %mul3A_2, %multiple_of3A_736 : i32
    %dma_wait3A_738 = arith.constant 0 : i32
    %dma_wait3A_739 = arith.constant 0 : i32
    %dma_wait3A_740 = tpu.memref_slice %arg4[%add3A_737, %dma_wait3A_739] : memref<819200x128xf32, #tpu.memory_space<hbm>> -> memref<80x128xf32, #tpu.memory_space<hbm>>
    %dma_wait3A_741 = arith.constant 0 : i32
    %dma_wait3A_742 = arith.constant 0 : i32
    %dma_wait3A_743 = tpu.memref_slice %arg7[%arg1, %dma_wait3A_738, %dma_wait3A_741, %dma_wait3A_742] : memref<16x5x80x128xf32, #tpu.memory_space<vmem_shared>> -> memref<1x1x80x128xf32, #tpu.memory_space<vmem_shared>>
    %dma_wait3A_744 = tpu.memref_squeeze %dma_wait3A_743 : memref<1x1x80x128xf32, #tpu.memory_space<vmem_shared>> -> memref<80x128xf32, #tpu.memory_space<vmem_shared>>
    tpu.wait_dma2 semaphore(%arg18 : memref<!tpu.dma_semaphore, #tpu.memory_space<semaphore_mem>>) src(%dma_wait3A_744 : memref<80x128xf32, #tpu.memory_space<vmem_shared>>) dst(%dma_wait3A_740 : memref<80x128xf32, #tpu.memory_space<hbm>>)
    %multiple_of3A_745 = arith.constant 25280 : i32
    %multiple_of3A_746 = tpu.assume_multiple %multiple_of3A_745, 8 : i32
    %add3A_747 = arith.addi %mul3A_2, %multiple_of3A_746 : i32
    %dma_wait3A_748 = arith.constant 1 : i32
    %dma_wait3A_749 = arith.constant 0 : i32
    %dma_wait3A_750 = tpu.memref_slice %arg4[%add3A_747, %dma_wait3A_749] : memref<819200x128xf32, #tpu.memory_space<hbm>> -> memref<80x128xf32, #tpu.memory_space<hbm>>
    %dma_wait3A_751 = arith.constant 0 : i32
    %dma_wait3A_752 = arith.constant 0 : i32
    %dma_wait3A_753 = tpu.memref_slice %arg7[%arg1, %dma_wait3A_748, %dma_wait3A_751, %dma_wait3A_752] : memref<16x5x80x128xf32, #tpu.memory_space<vmem_shared>> -> memref<1x1x80x128xf32, #tpu.memory_space<vmem_shared>>
    %dma_wait3A_754 = tpu.memref_squeeze %dma_wait3A_753 : memref<1x1x80x128xf32, #tpu.memory_space<vmem_shared>> -> memref<80x128xf32, #tpu.memory_space<vmem_shared>>
    tpu.wait_dma2 semaphore(%arg19 : memref<!tpu.dma_semaphore, #tpu.memory_space<semaphore_mem>>) src(%dma_wait3A_754 : memref<80x128xf32, #tpu.memory_space<vmem_shared>>) dst(%dma_wait3A_750 : memref<80x128xf32, #tpu.memory_space<hbm>>)
    %multiple_of3A_755 = arith.constant 25360 : i32
    %multiple_of3A_756 = tpu.assume_multiple %multiple_of3A_755, 8 : i32
    %add3A_757 = arith.addi %mul3A_2, %multiple_of3A_756 : i32
    %dma_wait3A_758 = arith.constant 2 : i32
    %dma_wait3A_759 = arith.constant 0 : i32
    %dma_wait3A_760 = tpu.memref_slice %arg4[%add3A_757, %dma_wait3A_759] : memref<819200x128xf32, #tpu.memory_space<hbm>> -> memref<80x128xf32, #tpu.memory_space<hbm>>
    %dma_wait3A_761 = arith.constant 0 : i32
    %dma_wait3A_762 = arith.constant 0 : i32
    %dma_wait3A_763 = tpu.memref_slice %arg7[%arg1, %dma_wait3A_758, %dma_wait3A_761, %dma_wait3A_762] : memref<16x5x80x128xf32, #tpu.memory_space<vmem_shared>> -> memref<1x1x80x128xf32, #tpu.memory_space<vmem_shared>>
    %dma_wait3A_764 = tpu.memref_squeeze %dma_wait3A_763 : memref<1x1x80x128xf32, #tpu.memory_space<vmem_shared>> -> memref<80x128xf32, #tpu.memory_space<vmem_shared>>
    tpu.wait_dma2 semaphore(%arg20 : memref<!tpu.dma_semaphore, #tpu.memory_space<semaphore_mem>>) src(%dma_wait3A_764 : memref<80x128xf32, #tpu.memory_space<vmem_shared>>) dst(%dma_wait3A_760 : memref<80x128xf32, #tpu.memory_space<hbm>>)
    %multiple_of3A_765 = arith.constant 25440 : i32
    %multiple_of3A_766 = tpu.assume_multiple %multiple_of3A_765, 8 : i32
    %add3A_767 = arith.addi %mul3A_2, %multiple_of3A_766 : i32
    %dma_wait3A_768 = arith.constant 3 : i32
    %dma_wait3A_769 = arith.constant 0 : i32
    %dma_wait3A_770 = tpu.memref_slice %arg4[%add3A_767, %dma_wait3A_769] : memref<819200x128xf32, #tpu.memory_space<hbm>> -> memref<80x128xf32, #tpu.memory_space<hbm>>
    %dma_wait3A_771 = arith.constant 0 : i32
    %dma_wait3A_772 = arith.constant 0 : i32
    %dma_wait3A_773 = tpu.memref_slice %arg7[%arg1, %dma_wait3A_768, %dma_wait3A_771, %dma_wait3A_772] : memref<16x5x80x128xf32, #tpu.memory_space<vmem_shared>> -> memref<1x1x80x128xf32, #tpu.memory_space<vmem_shared>>
    %dma_wait3A_774 = tpu.memref_squeeze %dma_wait3A_773 : memref<1x1x80x128xf32, #tpu.memory_space<vmem_shared>> -> memref<80x128xf32, #tpu.memory_space<vmem_shared>>
    tpu.wait_dma2 semaphore(%arg21 : memref<!tpu.dma_semaphore, #tpu.memory_space<semaphore_mem>>) src(%dma_wait3A_774 : memref<80x128xf32, #tpu.memory_space<vmem_shared>>) dst(%dma_wait3A_770 : memref<80x128xf32, #tpu.memory_space<hbm>>)
    %multiple_of3A_775 = arith.constant 25520 : i32
    %multiple_of3A_776 = tpu.assume_multiple %multiple_of3A_775, 8 : i32
    %add3A_777 = arith.addi %mul3A_2, %multiple_of3A_776 : i32
    %dma_wait3A_778 = arith.constant 4 : i32
    %dma_wait3A_779 = arith.constant 0 : i32
    %dma_wait3A_780 = tpu.memref_slice %arg4[%add3A_777, %dma_wait3A_779] : memref<819200x128xf32, #tpu.memory_space<hbm>> -> memref<80x128xf32, #tpu.memory_space<hbm>>
    %dma_wait3A_781 = arith.constant 0 : i32
    %dma_wait3A_782 = arith.constant 0 : i32
    %dma_wait3A_783 = tpu.memref_slice %arg7[%arg1, %dma_wait3A_778, %dma_wait3A_781, %dma_wait3A_782] : memref<16x5x80x128xf32, #tpu.memory_space<vmem_shared>> -> memref<1x1x80x128xf32, #tpu.memory_space<vmem_shared>>
    %dma_wait3A_784 = tpu.memref_squeeze %dma_wait3A_783 : memref<1x1x80x128xf32, #tpu.memory_space<vmem_shared>> -> memref<80x128xf32, #tpu.memory_space<vmem_shared>>
    tpu.wait_dma2 semaphore(%arg22 : memref<!tpu.dma_semaphore, #tpu.memory_space<semaphore_mem>>) src(%dma_wait3A_784 : memref<80x128xf32, #tpu.memory_space<vmem_shared>>) dst(%dma_wait3A_780 : memref<80x128xf32, #tpu.memory_space<hbm>>)
    return
  }
}

</mosaic_0001>

<sc_bundles>
// kernel: kernel.3.cloned.1.call-start
scs
__scs_entry_jumppad:
0x0: {  	(pc) =	sbr.rel $0x88, $3  }
0x1: {  	(tag) =	ssettag $0x0;
	lr =	simm.s32 $0x1  }
0x2: {  	[smem:$0x3F9F] =	sst lr;
	_ =	strace $0xD0000000  }
0x3: {  	_ = 	snop  }
0x4: {  	_ = 	snop  }
0x5: {  	_ = 	snop  }
0x6: {  	_ = 	snop  }
0x7: {  	_ = 	snop  }
__scs_overlays_trampoline_lowered:
0x8: {  	[smem:$0x3FAE] =	sst s0  }
0x9: {  	[smem:$0x3FAF] =	sst s1  }
0xa: {  	[smem:$0x3FB0] =	sst s2  }
0xb: {  	[smem:$0x3FB1] =	sst s3  }
0xc: {  	[smem:$0x3FB2] =	sst s4  }
0xd: {  	[smem:$0x3FB3] =	sst s5  }
0xe: {  	[smem:$0x3FB4] =	sst s6  }
0xf: {  	[smem:$0x3FB5] =	sst s7  }
0x10: {  	[smem:$0x3FB6] =	sst s8  }
0x11: {  	[smem:$0x3FB7] =	sst s9;
	s0 =	simm.s32 @!p0 $0x0  }
0x12: {  	s1 =	sld [smem:$0x3F9D];
	s0 =	simm.s32 @p0 $0x1  }
0x13: {  	[smem:$0x3FB8] =	sst s0;
	s0 =	simm.s32 @!p1 $0x0  }
0x14: {  	s2 =	sld [smem:$0x3F9C];
	s0 =	simm.s32 @p1 $0x1  }
0x15: {  	[smem:$0x3FB9] =	sst s0;
	s0 =	simm.s32 @!p2 $0x0  }
0x16: {  	s3 =	sld [smem:$0x3FDB];
	s0 =	simm.s32 @p2 $0x1  }
0x17: {  	s4 =	simm.s32 $0x1BF5;
	[smem:$0x3FBB] =	sst s0  }
0x18: {  	s0 =	sld [smem:$0x3F9E];
	_ =	swait.ge [sflag:s4], $0x0  }
0x19: {  	s7 =	sld [smem:$0x3F9F]  }
0x1a: {  	s8 =	sadd.s32 $0xFFFFE003, lr  }
0x1b: {  	s9 =	sadd.s32 $0xFFFFFEF7, lr;
	s5 =	simm.s32 $0xFFFFFFFF;
	p2 =	slt.u32 s8, $0xFFFFF086  }
0x1c: {  	p1 =	slt.u32 s9, $0xF7A;
	s5 =	simm.s32 @!p2 $0x0  }
0x1d: {  	s5 =	simm.s32 @p1 $0x1;
	p0 =	seq.s32 s7, s2  }
0x1e: {  	s7 =	smul.u32 @!p0 $0xF7A, s2;
	p2 =	seq.s32 @!p0 s5, $0x0  }
0x1f: {  	s9 =	smul.u32 $0xF7A, s1;
	s8 =	simm.s32 @!p0 $0x1BF5;
	p2 =	por !p2, p0  }
0x20: {  	[sflag:s8] =	ssyncset.s32 @!p0 $0xFFFFF086;
	s6 =	sadd.s32 @!p0 s3, s7;
	s7 =	simm.s32 @!p0 $0x108  }
0x21: {  	s3 =	sadd.s32 s3, s9;
	s6 =	sadd.s32 @!p0 $0x88, s6;
	s7 =	simm.s32 @p2 $0x1082  }
0x22: {  	[simem:s7], [sflag:s8] =	dma.local @!p0 [hbm:s6], $0xF7A  }
0x23: {  	s9 =	sor.u32 $0xD0000000, s2;
	s6 =	simm.s32 $0x108;
	_ =	swait.ge @!p0 [sflag:s8], $0x0  }
0x24: {  	s3 =	sadd.s32 $0x88, s3;
	s6 =	simm.s32 @!p1 $0x1082;
	[sflag:s4] =	ssyncset.s32 $0xFFFFF086  }
0x25: {  	[simem:s6], [sflag:s4] =	dma.local [hbm:s3], $0xF7A  }
0x26: {  	[smem:$0x3F9F] =	sst s1;
	(tag) =	ssettag s2;
	_ =	strace s9  }
0x27: {  	s1 =	sld [smem:$0x3FAF]  }
0x28: {  	s2 =	sld [smem:$0x3FB0]  }
0x29: {  	s4 =	sld [smem:$0x3FB2]  }
0x2a: {  	p0 =	seq.s32 s5, $0x0;
	s5 =	sld [smem:$0x3FB3]  }
0x2b: {  	s6 =	sld [smem:$0x3FB4]  }
0x2c: {  	s7 =	sld [smem:$0x3FB5]  }
0x2d: {  	s3 =	simm.s32 $0x108;
	s8 =	sld [smem:$0x3FB6]  }
0x2e: {  	s3 =	simm.s32 @!p0 $0x1082;
	s9 =	sld [smem:$0x3FB7]  }
0x2f: {  	lr =	sadd.s32 s0, s3;
	s0 =	sld [smem:$0x3FAE]  }
0x30: {  	s3 =	sld [smem:$0x3FB1]  }
0x31: {  	[smem:$0x3FBA] =	sst s10  }
0x32: {  	s10 =	sld [smem:$0x3FB8];
	_ =	sdelay $0x3  }
0x33: {  	p0 =	seq.s32 s10, $0x1;
	s10 =	sld [smem:$0x3FBA];
	_ =	sdelay $0x3  }
0x34: {  	[smem:$0x3FBA] =	sst s10  }
0x35: {  	s10 =	sld [smem:$0x3FB9];
	_ =	sdelay $0x3  }
0x36: {  	p1 =	seq.s32 s10, $0x1;
	s10 =	sld [smem:$0x3FBA];
	_ =	sdelay $0x3  }
0x37: {  	[smem:$0x3FBA] =	sst s10  }
0x38: {  	s10 =	sld [smem:$0x3FBB]  }
0x39: {  	_ = 	snop;
	(pc) =	sbr.ind lr, $3  }
0x3a: {  	_ = 	snop  }
0x3b: {  	_ = 	snop  }
0x3c: {  	p2 =	seq.s32 s10, $0x1;
	s10 =	sld [smem:$0x3FBA]  }
0x3d: {  	_ =	shalt  }
0x3e: {  	_ =	shalt  }
0x3f: {  	_ =	shalt  }
0x40: {  	_ =	shalt  }
0x41: {  	_ =	shalt  }
0x42: {  	_ =	shalt  }
0x43: {  	_ =	shalt  }
0x44: {  	_ =	shalt  }
0x45: {  	_ =	shalt  }
0x46: {  	_ =	shalt  }
0x47: {  	_ =	shalt  }
0x48: {  	_ =	shalt  }
0x49: {  	_ =	shalt  }
0x4a: {  	_ =	shalt  }
0x4b: {  	_ =	shalt  }
0x4c: {  	_ =	shalt  }
0x4d: {  	_ =	shalt  }
0x4e: {  	_ =	shalt  }
0x4f: {  	_ =	shalt  }
0x50: {  	_ =	shalt  }
0x51: {  	_ =	shalt  }
0x52: {  	_ =	shalt  }
0x53: {  	_ =	shalt  }
0x54: {  	_ =	shalt  }
0x55: {  	_ =	shalt  }
0x56: {  	_ =	shalt  }
0x57: {  	_ =	shalt  }
0x58: {  	_ =	shalt  }
0x59: {  	_ =	shalt  }
0x5a: {  	_ =	shalt  }
0x5b: {  	_ =	shalt  }
0x5c: {  	_ =	shalt  }
0x5d: {  	_ =	shalt  }
0x5e: {  	_ =	shalt  }
0x5f: {  	_ =	shalt  }
0x60: {  	_ =	shalt  }
0x61: {  	_ =	shalt  }
0x62: {  	_ =	shalt  }
0x63: {  	_ =	shalt  }
0x64: {  	_ =	shalt  }
0x65: {  	_ =	shalt  }
0x66: {  	_ =	shalt  }
0x67: {  	_ =	shalt  }
0x68: {  	_ =	shalt  }
0x69: {  	_ =	shalt  }
0x6a: {  	_ =	shalt  }
0x6b: {  	_ =	shalt  }
0x6c: {  	_ =	shalt  }
0x6d: {  	_ =	shalt  }
0x6e: {  	_ =	shalt  }
0x6f: {  	_ =	shalt  }
0x70: {  	_ =	shalt  }
0x71: {  	_ =	shalt  }
0x72: {  	_ =	shalt  }
0x73: {  	_ =	shalt  }
0x74: {  	_ =	shalt  }
0x75: {  	_ =	shalt  }
0x76: {  	_ =	shalt  }
0x77: {  	_ =	shalt  }
0x78: {  	_ =	shalt  }
0x79: {  	_ =	shalt  }
0x7a: {  	_ =	shalt  }
0x7b: {  	_ =	shalt  }
0x7c: {  	_ =	shalt  }
0x7d: {  	_ =	shalt  }
0x7e: {  	_ =	shalt  }
0x7f: {  	_ =	shalt  }
0x80: {  	_ =	shalt  }
0x81: {  	_ =	shalt  }
0x82: {  	_ =	shalt  }
0x83: {  	_ =	shalt  }
0x84: {  	_ =	shalt  }
0x85: {  	_ =	shalt  }
0x86: {  	_ =	shalt  }
0x87: {  	_ =	shalt  }
.Lfunc_end0:
.L_simem_size_0:
called_computation_lowered:
.L_overlay_start_0:
0x88: {  	s2 =	sld [smem:$0x3FD9]  }
0x89: {  	s3 =	sld [smem:$0x3FFE];
	_ =	sdelay $0x1  }
0x8a: {  	s1 =	srdreg.scid  }
0x8b: {  	s0 =	sand.u32 $0x1, s1  }
0x8c: {  	s17 =	sshll.u32 s0, $0xA;
	s2 =	sadd.s32 s3, s2  }
0x8d: {  	s2 =	sadd.s32 s2, s17  }
0x8e: {  	[smem:$0x3FC6] =	sst s2  }
0x8f: {  	_ = 	snop  }
0x90: {  	s2 =	sld [smem:$0x3FC8]  }
0x91: {  	s18 =	sld [smem:$0x3FD0];
	(tm) =	ssettm $0x1  }
0x92: {  	s4 =	sld [smem:$0x3FFB];
	_ =	sdelay $0x3  }
0x93: {  	_ =	strace s4  }
0x94: {  	s4 =	sld [smem:$0x3FFC];
	_ =	sdelay $0x3  }
0x95: {  	_ =	strace s4  }
0x96: {  	s4 =	sld [smem:$0x3FFD];
	_ =	sdelay $0x3  }
0x97: {  	_ =	strace s4  }
0x98: {  	_ =	strace $0x8FFFFFFF  }
0x99: {  	s19 =	sld [smem:$0x3FDB];
	_ =	sdelay $0x1  }
0x9a: {  	s5 =	simm.s32 $_scs_section_size  }
0x9b: {  	s6 =	simm.s32 $_size__tile_overlayer_lowered;
	s7 =	simm.s32 $_tile_overlayer_lowered  }
0x9c: {  	s22 =	simm.s32 $0x1BFF;
	s21 =	sshll.u32 s7, $0x1;
	s4 =	sadd.s32 s5, s19  }
0x9d: {  	s8 =	simm.s32 $0x0;
	s20 =	sshll.u32 s6, $0x1;
	s6 =	sadd.s32 s21, s4  }
0x9e: {  	[timem:s8], [sflag:s22] =	dma.local [hbm:s6], s20  }
0x9f: {  	_ =	swait.ge [sflag:s22], s20  }
0xa0: {  	s5 =	ssub.s32 $0x0, s20;
	[sflag:s22] =	ssyncset.done $0x0  }
0xa1: {  	[sflag:s22] =	ssyncadd.s32 s5;
	_ =	sdelay $0x1  }
0xa2: {  	s23 =	simm.s32 $0x1B8B  }
0xa3: {  	_ =	swait.ge [sflag:s23], $0x1  }
0xa4: {  	[sflag:s23] =	ssyncset.done $0x0  }
0xa5: {  	s25 =	simm.s32 $0x1B8E;
	s24 =	sld [smem:$0x3FFE];
	[sflag:s23] =	ssyncadd.s32 $0xFFFFFFFF  }
0xa6: {  	s26 =	simm.s32 $execute0_lowered;
	[smem:$0x3FD2] =	sst s25  }
0xa7: {  	s6 =	sshll.u32 s26, $0x1;
	_ =	strace $0x80000046;
	[dreg:$0x1] =	wrdreg $0xFFFFFFFF  }
0xa8: {  	s28 =	simm.s32 $_size_execute0_lowered;
	s4 =	sadd.s32 s4, s6;
	[dreg:$0x0] =	wrdreg $0x0  }
0xa9: {  	s6 =	sshll.u32 s28, $0x1;
	[dreg:$0x2] =	wrdreg s4  }
0xaa: {  	[dreg:$0x3] =	wrdreg s6  }
0xab: {  	[dreg:$0x4] =	wrdreg $0xC0  }
0xac: {  	_ =	task [dreg:s8], $0x5FFFF  }
0xad: {  	[dreg:$0x1] =	wrdreg $0xFFFFFFFF  }
0xae: {  	[dreg:$0x0] =	wrdreg $0x60  }
0xaf: {  	[dreg:$0x2] =	wrdreg s24  }
0xb0: {  	[dreg:$0x3] =	wrdreg s2  }
0xb1: {  	[dreg:$0x4] =	wrdreg s18  }
0xb2: {  	[dreg:$0x5] =	wrdreg $0x12C000  }
0xb3: {  	[dreg:$0x6] =	wrdreg $0x9  }
0xb4: {  	_ =	task.clear_ibuf [dreg:s8], $0x7FFFF;
	_ =	strace $0x90000046  }
0xb5: {  	s29 =	simm.s32 $0x9;
	_ =	strace $0x80000048  }
0xb6: {  	_ =	swait.ge [sflag:s29], $0x1  }
0xb7: {  	[sflag:s29] =	ssyncadd.s32 $0xFFFFFFFF  }
0xb8: {  	_ =	strace $0x90000048  }
0xb9: {  	_ =	sfence  }
0xba: {  	s30 =	sld [smem:$0x0];
	_ =	sdelay $0x2  }
0xbb: {  	s31 =	sshll.u32 s1, $0xD;
	s1 =	sshrl.u32 s1, $0x2  }
0xbc: {  	s3 =	sand.u32 $0x4000, s31;
	s1 =	sadd.s32 s1, s30  }
0xbd: {  	s0 =	sor.u32 s3, s0;
	s1 =	sshll.u32 s1, $0x11  }
0xbe: {  	s0 =	sor.u32 s1, s0  }
0xbf: {  	s0 =	sadd.s32 $0x8F2B, s0  }
0xc0: {  	[sflag:s0] =	ssyncadd.remote.s32 $0x1  }
0xc1: {  	_ =	sfence.sel $0xFFFF  }
0xc2: {  	[dreg:$0x0] =	wrdreg $0xFFFFFFFF;
	(pc) =	sbr.abs _section_cstart, $3  }
0xc3: {  	[dreg:$0x1] =	wrdreg $0xFFFFFFFF  }
0xc4: {  	_ =	task.clear_ibuf [dreg:s8], $0x2FFFF;
	_ =	strace $0x9FFFFFFF  }
0xc5: {  	(tm) =	ssettm $0x7FFFFFFF  }
tec
execute0_lowered:
.L_overlay_start_1:
0x0: {  	(tag) =	ssettag $0x1  }
0x1: {  	s0 =	rddreg [dreg:$0x0]  }
0x2: {  	s1 =	rddreg [dreg:$0x1]  }
0x3: {  	s2 =	srdreg.scid;
	s4 =	rddreg [dreg:$0x2]  }
0x4: {  	s10 =	stileid.u32;
	s5 =	rddreg [dreg:$0x3];
	s7 =	simm.s32 $0x0  }
0x5: {  	s2 =	sand.u32 $0x1, s2;
	s3 =	sshll.u32 s10, $0x1;
	s12 =	smul.u32 $0x32000, s10  }
0x6: {  	[smem:$0x7FF] =	sst s7;
	s23 =	smul.u32 $0xC8000, s10;
	s3 =	sor.u32 s2, s3  }
0x7: {  	s13 =	ssub.s32 $0x2, s2;
	s2 =	smul.u32 $0x64000, s2;
	s7 =	sshrl.u32 s12, $0x2  }
0x8: {  	_ =	strace $0x80000047;
	s6 =	smul.u32 $0x6400, s3;
	s5 =	sadd.s32 s7, s5  }
0x9: {  	s8 =	sshrl.u32 s13, $0x1;
	s14 =	sadd.s32 $0x2800, s5;
	[dreg:$0x5] =	wrdreg s5  }
0xa: {  	s9 =	smul.u32 $0x64000, s3;
	s17 =	sadd.s32 $0x5000, s5;
	[dreg:$0x6] =	wrdreg s14  }
0xb: {  	s16 =	smul.u32 $0x320000, s3;
	s19 =	sadd.s32 $0x7800, s5;
	[dreg:$0x7] =	wrdreg s17  }
0xc: {  	s3 =	sadd.s32 s23, s4;
	s21 =	sadd.s32 $0xA000, s5;
	[dreg:$0x8] =	wrdreg s19  }
0xd: {  	s23 =	simm.s32 $0x50;
	s15 =	sadd.s32 s4, s9;
	[dreg:$0x9] =	wrdreg s21  }
0xe: {  	s6 =	sshrl.u32 s6, $0x3;
	s18 =	sadd.s32 $0x500, s15;
	[dreg:$0xb] =	wrdreg s15  }
0xf: {  	s0 =	sadd.s32 s6, s0;
	s20 =	sadd.s32 $0xA00, s15;
	[dreg:$0xc] =	wrdreg s18  }
0x10: {  	s6 =	ssub.s32 s13, s8;
	s0 =	sadd.s32 $0x400, s0;
	[dreg:$0xd] =	wrdreg s20  }
0x11: {  	s22 =	sadd.s32 $0xF00, s15;
	[dreg:$0xa] =	wrdreg s0;
	s0 =	sshrl.u32 s16, $0x3  }
0x12: {  	[dreg:$0xe] =	wrdreg s22;
	s31 =	smax.u32 s6, $0x1;
	s0 =	sadd.s32 s4, s0  }
0x13: {  	s30 =	sadd.s32 s2, s3;
	[dreg:$0x15] =	wrdreg s31;
	s24 =	sadd.s32 $0x62200, s0  }
0x14: {  	s5 =	simm.s32 $0x0;
	s25 =	sadd.s32 $0x62700, s0;
	[dreg:$0xf] =	wrdreg s24  }
0x15: {  	s13 =	simm.s32 $0x9;
	s26 =	sadd.s32 $0x62C00, s0;
	[dreg:$0x10] =	wrdreg s25  }
0x16: {  	s14 =	simm.s32 $0xB;
	s28 =	sadd.s32 $0x63100, s0;
	[dreg:$0x11] =	wrdreg s26  }
0x17: {  	s15 =	simm.s32 $0xA;
	s29 =	sadd.s32 $0x63600, s0;
	[dreg:$0x12] =	wrdreg s28  }
0x18: {  	s17 =	simm.s32 $0xD;
	s0 =	sadd.s32 $0x63B00, s0;
	[dreg:$0x13] =	wrdreg s29  }
0x19: {  	s19 =	simm.s32 $0xF;
	[dreg:$0x14] =	wrdreg s0;
	s0 =	sadd.s32 $0x2800, s30  }
0x1a: {  	s18 =	simm.s32 $0xE;
	s16 =	simm.s32 $0xC;
	[dreg:$0x16] =	wrdreg s0  }
.LBB2_1:
0x1b: {  	[dreg:$0x17] =	wrdreg s5  }
0x1c: {  	s0 =	simm.s32 $0x0;
	s7 =	rddreg [dreg:$0xa];
	s8 =	simm.s32 $0x10  }
0x1d: {  	[tilespmem:s0], [sflag:$0x10] =	stream.linear.gather [hbm4b:s7+s0], $0x6400, $0x38;
	[tilespmem:$0x1F400] =	vst v63  }
0x1e: {  	_ =	swait.ge [sflag:s8], $0x6400  }
0x1f: {  	[sflag:s8] =	ssyncset.done $0x0  }
0x20: {  	s9 =	simm.s32 $0x6400;
	[sflag:s8] =	ssyncadd.s32 $0xFFFF9C00  }
0x21: {  	[tilespmem:s9], [sflag:$0x1] =	stream.indirect.gather [hbm4b:s1+s23], $0x80, s0, s23, $0xb8;
	[tilespmem:$0x1F400] =	vst v63  }
0x22: {  	s11 =	simm.s32 $0x8C00  }
0x23: {  	[tilespmem:s11], [sflag:$0x2] =	stream.indirect.gather [hbm4b:s1+s23], $0x80, s23, s23, $0xb8;
	[tilespmem:$0x1F400] =	vst v63  }
0x24: {  	s12 =	simm.s32 $0xA0;
	s2 =	simm.s32 $0xB400  }
0x25: {  	[tilespmem:s2], [sflag:$0x3] =	stream.indirect.gather [hbm4b:s1+s23], $0x80, s12, s23, $0xb8;
	[tilespmem:$0x1F400] =	vst v63  }
0x26: {  	s20 =	simm.s32 $0xF0;
	s21 =	simm.s32 $0xDC00;
	s31 =	simm.s32 $0x1  }
0x27: {  	[tilespmem:s21], [sflag:$0x4] =	stream.indirect.gather [hbm4b:s1+s23], $0x80, s20, s23, $0xb8;
	[tilespmem:$0x1F400] =	vst v63  }
0x28: {  	_ =	swait.ge [sflag:s31], $0x2800  }
0x29: {  	[sflag:s31] =	ssyncset.done $0x0  }
0x2a: {  	s7 =	rddreg [dreg:$0x5];
	[sflag:s31] =	ssyncadd.s32 $0xFFFFD800  }
0x2b: {  	[spmem:s7] =	stream.linear.scatter [tilespmem:s9], [sflag:$0x6], $0x2800, $0x38;
	[tilespmem:$0x1F400] =	vst v63  }
0x2c: {  	s22 =	simm.s32 $0x140;
	s24 =	simm.s32 $0x10400;
	s29 =	simm.s32 $0x2  }
0x2d: {  	[tilespmem:s24], [sflag:$0x5] =	stream.indirect.gather [hbm4b:s1+s23], $0x80, s22, s23, $0xb8;
	[tilespmem:$0x1F400] =	vst v63  }
0x2e: {  	_ =	swait.ge [sflag:s29], $0x2800  }
0x2f: {  	s4 =	simm.s32 $0x8C00;
	s30 =	stileid.u32;
	[sflag:s29] =	ssyncset.done $0x0  }
0x30: {  	s24 =	simm.s32 $0x6;
	s20 =	rddreg [dreg:$0x6];
	[sflag:s29] =	ssyncadd.s32 $0xFFFFD800  }
0x31: {  	[spmem:s20] =	stream.linear.scatter [tilespmem:s4], [sflag:$0x7], $0x2800, $0x38;
	[tilespmem:$0x1F400] =	vst v63  }
0x32: {  	s8 =	simm.s32 $0x6400;
	s0 =	sshll.u32 s30, $0x6;
	_ =	swait.ge [sflag:s24], $0x2800  }
0x33: {  	s5 =	sor.u32 $0x1C0B, s0;
	s2 =	simm.s32 $0x190;
	[sflag:s24] =	ssyncset.done $0x0  }
0x34: {  	s26 =	sshrl.u32 s7, $0x3;
	s6 =	rddreg [dreg:$0xb];
	[sflag:s24] =	ssyncadd.s32 $0xFFFFD800  }
0x35: {  	[hbm:s6], [sflag:s5] =	dma.local [spmem:s26], $0x500  }
0x36: {  	[tilespmem:s8], [sflag:$0x1] =	stream.indirect.gather [hbm4b:s1+s23], $0x80, s2, s23, $0xb8;
	[tilespmem:$0x1F400] =	vst v63  }
0x37: {  	s2 =	simm.s32 $0x3  }
0x38: {  	_ =	swait.ge [sflag:s2], $0x2800  }
0x39: {  	[sflag:s2] =	ssyncset.done $0x0  }
0x3a: {  	s3 =	simm.s32 $0xB400;
	s28 =	rddreg [dreg:$0x7];
	[sflag:s2] =	ssyncadd.s32 $0xFFFFD800  }
0x3b: {  	[spmem:s28] =	stream.linear.scatter [tilespmem:s3], [sflag:$0x8], $0x2800, $0x38;
	[tilespmem:$0x1F400] =	vst v63  }
0x3c: {  	s3 =	simm.s32 $0x7  }
0x3d: {  	s25 =	simm.s32 $0x8C00;
	s12 =	simm.s32 $0x1E0;
	_ =	swait.ge [sflag:s3], $0x2800  }
0x3e: {  	s21 =	sor.u32 $0x1C0C, s0;
	s22 =	sshrl.u32 s20, $0x3;
	[sflag:s3] =	ssyncset.done $0x0  }
0x3f: {  	s4 =	simm.s32 $0x4;
	s6 =	rddreg [dreg:$0xc];
	[sflag:s3] =	ssyncadd.s32 $0xFFFFD800  }
0x40: {  	[hbm:s6], [sflag:s21] =	dma.local [spmem:s22], $0x500  }
0x41: {  	[tilespmem:s25], [sflag:$0x2] =	stream.indirect.gather [hbm4b:s1+s23], $0x80, s12, s23, $0xb8;
	[tilespmem:$0x1F400] =	vst v63  }
0x42: {  	_ =	swait.ge [sflag:s4], $0x2800  }
0x43: {  	s10 =	simm.s32 $0xDC00;
	[sflag:s4] =	ssyncset.done $0x0  }
0x44: {  	s25 =	simm.s32 $0x8;
	s30 =	rddreg [dreg:$0x8];
	[sflag:s4] =	ssyncadd.s32 $0xFFFFD800  }
0x45: {  	[spmem:s30] =	stream.linear.scatter [tilespmem:s10], [sflag:$0x9], $0x2800, $0x38;
	[tilespmem:$0x1F400] =	vst v63  }
0x46: {  	s11 =	simm.s32 $0xB400;
	s8 =	sshrl.u32 s28, $0x3;
	_ =	swait.ge [sflag:s25], $0x2800  }
0x47: {  	s12 =	simm.s32 $0x5;
	s10 =	simm.s32 $0x230;
	[sflag:s25] =	ssyncset.done $0x0  }
0x48: {  	s6 =	rddreg [dreg:$0xd];
	[sflag:s25] =	ssyncadd.s32 $0xFFFFD800;
	s25 =	sor.u32 $0x1C0D, s0  }
0x49: {  	[hbm:s6], [sflag:s25] =	dma.local [spmem:s8], $0x500  }
0x4a: {  	[tilespmem:s11], [sflag:$0x3] =	stream.indirect.gather [hbm4b:s1+s23], $0x80, s10, s23, $0xb8;
	[tilespmem:$0x1F400] =	vst v63  }
0x4b: {  	_ =	swait.ge [sflag:s12], $0x2800  }
0x4c: {  	[sflag:s12] =	ssyncset.done $0x0  }
0x4d: {  	s9 =	simm.s32 $0x10400;
	s10 =	rddreg [dreg:$0x9];
	[sflag:s12] =	ssyncadd.s32 $0xFFFFD800  }
0x4e: {  	[spmem:s10] =	stream.linear.scatter [tilespmem:s9], [sflag:$0xA], $0x2800, $0x38;
	[tilespmem:$0x1F400] =	vst v63  }
0x4f: {  	s11 =	sor.u32 $0x1C0E, s0;
	_ =	swait.ge [sflag:s13], $0x2800  }
0x50: {  	s9 =	smov.u32 s10;
	[dreg:$0x18] =	wrdreg s11;
	[sflag:s13] =	ssyncset.done $0x0  }
0x51: {  	s10 =	sshrl.u32 s30, $0x3;
	s12 =	rddreg [dreg:$0xe];
	[sflag:s13] =	ssyncadd.s32 $0xFFFFD800  }
0x52: {  	[hbm:s12], [sflag:s11] =	dma.local [spmem:s10], $0x500  }
0x53: {  	s11 =	simm.s32 $0x280;
	s12 =	simm.s32 $0xDC00  }
0x54: {  	[tilespmem:s12], [sflag:$0x4] =	stream.indirect.gather [hbm4b:s1+s23], $0x80, s11, s23, $0xb8;
	[tilespmem:$0x1F400] =	vst v63  }
0x55: {  	_ =	swait.ge [sflag:s31], $0x2800  }
0x56: {  	[sflag:s31] =	ssyncset.done $0x0  }
0x57: {  	[sflag:s31] =	ssyncadd.s32 $0xFFFFD800  }
0x58: {  	_ =	swait.ge [sflag:s14], $0x500  }
0x59: {  	[sflag:s14] =	ssyncset.done $0x0  }
0x5a: {  	s12 =	simm.s32 $0x6400;
	[sflag:s14] =	ssyncadd.s32 $0xFFFFFB00  }
0x5b: {  	[spmem:s7] =	stream.linear.scatter [tilespmem:s12], [sflag:$0x6], $0x2800, $0x38;
	[tilespmem:$0x1F400] =	vst v63  }
0x5c: {  	_ =	swait.ge [sflag:s15], $0x2800  }
0x5d: {  	s6 =	sor.u32 $0x1C0F, s0;
	[sflag:s15] =	ssyncset.done $0x0;
	s7 =	rddreg [dreg:$0x16]  }
0x5e: {  	s12 =	sshrl.u32 s9, $0x3;
	[sflag:s15] =	ssyncadd.s32 $0xFFFFD800;
	s0 =	sadd.s32 $0xFFFFEC00, s7  }
0x5f: {  	[hbm:s0], [sflag:s6] =	dma.local [spmem:s12], $0x500  }
0x60: {  	s31 =	simm.s32 $0x2D0;
	s9 =	smov.u32 s6;
	s6 =	simm.s32 $0x10400  }
0x61: {  	[tilespmem:s6], [sflag:$0x5] =	stream.indirect.gather [hbm4b:s1+s23], $0x80, s31, s23, $0xb8;
	[tilespmem:$0x1F400] =	vst v63  }
0x62: {  	_ =	swait.ge [sflag:s29], $0x2800  }
0x63: {  	[sflag:s29] =	ssyncset.done $0x0  }
0x64: {  	[sflag:s29] =	ssyncadd.s32 $0xFFFFD800  }
0x65: {  	_ =	swait.ge [sflag:s16], $0x500  }
0x66: {  	[sflag:s16] =	ssyncset.done $0x0  }
0x67: {  	s31 =	simm.s32 $0x8C00;
	[sflag:s16] =	ssyncadd.s32 $0xFFFFFB00  }
0x68: {  	[spmem:s20] =	stream.linear.scatter [tilespmem:s31], [sflag:$0x7], $0x2800, $0x38;
	[tilespmem:$0x1F400] =	vst v63  }
0x69: {  	_ =	swait.ge [sflag:s24], $0x2800  }
0x6a: {  	[sflag:s24] =	ssyncset.done $0x0  }
0x6b: {  	[sflag:s24] =	ssyncadd.s32 $0xFFFFD800;
	s24 =	sadd.s32 $0xFFFFF100, s7  }
0x6c: {  	[hbm:s24], [sflag:s5] =	dma.local [spmem:s26], $0x500  }
0x6d: {  	s20 =	simm.s32 $0x320;
	s24 =	simm.s32 $0x6400  }
0x6e: {  	[tilespmem:s24], [sflag:$0x1] =	stream.indirect.gather [hbm4b:s1+s23], $0x80, s20, s23, $0xb8;
	[tilespmem:$0x1F400] =	vst v63  }
0x6f: {  	_ =	swait.ge [sflag:s2], $0x2800  }
0x70: {  	[sflag:s2] =	ssyncset.done $0x0  }
0x71: {  	[sflag:s2] =	ssyncadd.s32 $0xFFFFD800  }
0x72: {  	_ =	swait.ge [sflag:s17], $0x500  }
0x73: {  	s11 =	smov.u32 s12;
	[sflag:s17] =	ssyncset.done $0x0  }
0x74: {  	s12 =	smov.u32 s5;
	s5 =	simm.s32 $0xB400;
	[sflag:s17] =	ssyncadd.s32 $0xFFFFFB00  }
0x75: {  	[spmem:s28] =	stream.linear.scatter [tilespmem:s5], [sflag:$0x8], $0x2800, $0x38;
	[tilespmem:$0x1F400] =	vst v63  }
0x76: {  	_ =	swait.ge [sflag:s3], $0x2800  }
0x77: {  	s29 =	smov.u32 s26;
	[sflag:s3] =	ssyncset.done $0x0  }
0x78: {  	s26 =	sadd.s32 $0xFFFFF600, s7;
	[sflag:s3] =	ssyncadd.s32 $0xFFFFD800;
	s3 =	simm.s32 $0x370  }
0x79: {  	[hbm:s26], [sflag:s21] =	dma.local [spmem:s22], $0x500  }
0x7a: {  	[tilespmem:s31], [sflag:$0x2] =	stream.indirect.gather [hbm4b:s1+s23], $0x80, s3, s23, $0xb8;
	[tilespmem:$0x1F400] =	vst v63  }
0x7b: {  	_ =	swait.ge [sflag:s4], $0x2800  }
0x7c: {  	[sflag:s4] =	ssyncset.done $0x0  }
0x7d: {  	[sflag:s4] =	ssyncadd.s32 $0xFFFFD800  }
0x7e: {  	_ =	swait.ge [sflag:s18], $0x500  }
0x7f: {  	[sflag:s18] =	ssyncset.done $0x0  }
0x80: {  	s20 =	simm.s32 $0x8;
	s4 =	simm.s32 $0xDC00;
	[sflag:s18] =	ssyncadd.s32 $0xFFFFFB00  }
0x81: {  	[spmem:s30] =	stream.linear.scatter [tilespmem:s4], [sflag:$0x9], $0x2800, $0x38;
	[tilespmem:$0x1F400] =	vst v63  }
0x82: {  	_ =	swait.ge [sflag:s20], $0x2800  }
0x83: {  	s24 =	smov.u32 s21;
	[sflag:s20] =	ssyncset.done $0x0  }
0x84: {  	s2 =	smov.u32 s22;
	s21 =	sadd.s32 $0xFFFFFB00, s7;
	[sflag:s20] =	ssyncadd.s32 $0xFFFFD800  }
0x85: {  	[hbm:s21], [sflag:s25] =	dma.local [spmem:s8], $0x500  }
0x86: {  	s22 =	simm.s32 $0x3C0;
	s31 =	smov.u32 s25;
	s25 =	simm.s32 $0x5  }
0x87: {  	[tilespmem:s5], [sflag:$0x3] =	stream.indirect.gather [hbm4b:s1+s23], $0x80, s22, s23, $0xb8;
	[tilespmem:$0x1F400] =	vst v63  }
0x88: {  	_ =	swait.ge [sflag:s25], $0x2800  }
0x89: {  	[sflag:s25] =	ssyncset.done $0x0  }
0x8a: {  	[sflag:s25] =	ssyncadd.s32 $0xFFFFD800  }
0x8b: {  	_ =	swait.ge [sflag:s19], $0x500  }
0x8c: {  	[sflag:s19] =	ssyncset.done $0x0  }
0x8d: {  	s0 =	simm.s32 $0x410;
	s26 =	rddreg [dreg:$0x9];
	[sflag:s19] =	ssyncadd.s32 $0xFFFFFB00  }
0x8e: {  	[spmem:s26] =	stream.linear.scatter [tilespmem:s6], [sflag:$0xA], $0x2800, $0x38;
	[tilespmem:$0x1F400] =	vst v63  }
0x8f: {  	s28 =	sadd.s32 $0x1900, s7;
	s3 =	smov.u32 s8;
	_ =	swait.ge [sflag:s13], $0x2800  }
0x90: {  	s4 =	smov.u32 s10;
	[sflag:s13] =	ssyncset.done $0x0;
	s30 =	rddreg [dreg:$0x18]  }
0x91: {  	s25 =	simm.s32 $0x640;
	[sflag:s13] =	ssyncadd.s32 $0xFFFFD800;
	s26 =	smov.u32 s30  }
0x92: {  	[hbm:s7], [sflag:s30] =	dma.local [spmem:s10], $0x500  }
.LBB2_2:
0x93: {  	s8 =	simm.s32 $0xDC00;
	s5 =	simm.s32 $0x1  }
0x94: {  	[tilespmem:s8], [sflag:$0x4] =	stream.indirect.gather [hbm4b:s1+s23], $0x80, s0, s23, $0xb8;
	[tilespmem:$0x1F400] =	vst v63  }
0x95: {  	_ =	swait.ge [sflag:s5], $0x2800  }
0x96: {  	[sflag:s5] =	ssyncset.done $0x0  }
0x97: {  	[sflag:s5] =	ssyncadd.s32 $0xFFFFD800  }
0x98: {  	_ =	swait.ge [sflag:s14], $0x500  }
0x99: {  	[sflag:s14] =	ssyncset.done $0x0  }
0x9a: {  	s22 =	simm.s32 $0x6400;
	s7 =	rddreg [dreg:$0x5];
	[sflag:s14] =	ssyncadd.s32 $0xFFFFFB00  }
0x9b: {  	[spmem:s7] =	stream.linear.scatter [tilespmem:s22], [sflag:$0x6], $0x2800, $0x38;
	[tilespmem:$0x1F400] =	vst v63  }
0x9c: {  	s21 =	smov.u32 s25;
	s6 =	sadd.s32 $0xFFFFEC00, s28;
	_ =	swait.ge [sflag:s15], $0x2800  }
0x9d: {  	s10 =	simm.s32 $0x10400;
	s0 =	sshra.s32 s21, $0x2;
	[sflag:s15] =	ssyncset.done $0x0  }
0x9e: {  	s20 =	sadd.s32 $0x2D0, s0;
	s7 =	simm.s32 $0x2;
	[sflag:s15] =	ssyncadd.s32 $0xFFFFD800  }
0x9f: {  	[hbm:s6], [sflag:s9] =	dma.local [spmem:s11], $0x500  }
0xa0: {  	[tilespmem:s10], [sflag:$0x5] =	stream.indirect.gather [hbm4b:s1+s23], $0x80, s20, s23, $0xb8;
	[tilespmem:$0x1F400] =	vst v63  }
0xa1: {  	_ =	swait.ge [sflag:s7], $0x2800  }
0xa2: {  	[sflag:s7] =	ssyncset.done $0x0  }
0xa3: {  	[sflag:s7] =	ssyncadd.s32 $0xFFFFD800  }
0xa4: {  	_ =	swait.ge [sflag:s16], $0x500  }
0xa5: {  	s5 =	simm.s32 $0x8C00;
	[sflag:s16] =	ssyncset.done $0x0  }
0xa6: {  	s6 =	simm.s32 $0x6;
	s20 =	rddreg [dreg:$0x6];
	[sflag:s16] =	ssyncadd.s32 $0xFFFFFB00  }
0xa7: {  	[spmem:s20] =	stream.linear.scatter [tilespmem:s5], [sflag:$0x7], $0x2800, $0x38;
	[tilespmem:$0x1F400] =	vst v63  }
0xa8: {  	_ =	swait.ge [sflag:s6], $0x2800  }
0xa9: {  	s21 =	sadd.s32 $0xFFFFF100, s28;
	[sflag:s6] =	ssyncset.done $0x0  }
0xaa: {  	s20 =	simm.s32 $0x3;
	[sflag:s6] =	ssyncadd.s32 $0xFFFFD800;
	s6 =	sadd.s32 $0x320, s0  }
0xab: {  	[hbm:s21], [sflag:s12] =	dma.local [spmem:s29], $0x500  }
0xac: {  	[tilespmem:s22], [sflag:$0x1] =	stream.indirect.gather [hbm4b:s1+s23], $0x80, s6, s23, $0xb8;
	[tilespmem:$0x1F400] =	vst v63  }
0xad: {  	_ =	swait.ge [sflag:s20], $0x2800  }
0xae: {  	[sflag:s20] =	ssyncset.done $0x0  }
0xaf: {  	[sflag:s20] =	ssyncadd.s32 $0xFFFFD800  }
0xb0: {  	_ =	swait.ge [sflag:s17], $0x500  }
0xb1: {  	s6 =	simm.s32 $0xB400;
	[sflag:s17] =	ssyncset.done $0x0  }
0xb2: {  	s20 =	simm.s32 $0x7;
	s22 =	rddreg [dreg:$0x7];
	[sflag:s17] =	ssyncadd.s32 $0xFFFFFB00  }
0xb3: {  	[spmem:s22] =	stream.linear.scatter [tilespmem:s6], [sflag:$0x8], $0x2800, $0x38;
	[tilespmem:$0x1F400] =	vst v63  }
0xb4: {  	_ =	swait.ge [sflag:s20], $0x2800  }
0xb5: {  	[sflag:s20] =	ssyncset.done $0x0  }
0xb6: {  	s22 =	sadd.s32 $0xFFFFF600, s28;
	[sflag:s20] =	ssyncadd.s32 $0xFFFFD800;
	s20 =	sadd.s32 $0x370, s0  }
0xb7: {  	[hbm:s22], [sflag:s24] =	dma.local [spmem:s2], $0x500  }
0xb8: {  	[tilespmem:s5], [sflag:$0x2] =	stream.indirect.gather [hbm4b:s1+s23], $0x80, s20, s23, $0xb8;
	[tilespmem:$0x1F400] =	vst v63  }
0xb9: {  	s20 =	simm.s32 $0x4  }
0xba: {  	_ =	swait.ge [sflag:s20], $0x2800  }
0xbb: {  	[sflag:s20] =	ssyncset.done $0x0  }
0xbc: {  	[sflag:s20] =	ssyncadd.s32 $0xFFFFD800  }
0xbd: {  	_ =	swait.ge [sflag:s18], $0x500  }
0xbe: {  	[sflag:s18] =	ssyncset.done $0x0  }
0xbf: {  	s20 =	simm.s32 $0x8;
	s5 =	rddreg [dreg:$0x8];
	[sflag:s18] =	ssyncadd.s32 $0xFFFFFB00  }
0xc0: {  	[spmem:s5] =	stream.linear.scatter [tilespmem:s8], [sflag:$0x9], $0x2800, $0x38;
	[tilespmem:$0x1F400] =	vst v63  }
0xc1: {  	_ =	swait.ge [sflag:s20], $0x2800  }
0xc2: {  	[sflag:s20] =	ssyncset.done $0x0  }
0xc3: {  	s5 =	sadd.s32 $0xFFFFFB00, s28;
	s8 =	sadd.s32 $0x3C0, s0;
	[sflag:s20] =	ssyncadd.s32 $0xFFFFD800  }
0xc4: {  	[hbm:s5], [sflag:s31] =	dma.local [spmem:s3], $0x500  }
0xc5: {  	[tilespmem:s6], [sflag:$0x3] =	stream.indirect.gather [hbm4b:s1+s23], $0x80, s8, s23, $0xb8;
	[tilespmem:$0x1F400] =	vst v63  }
0xc6: {  	s8 =	simm.s32 $0x5  }
0xc7: {  	_ =	swait.ge [sflag:s8], $0x2800  }
0xc8: {  	[sflag:s8] =	ssyncset.done $0x0  }
0xc9: {  	[sflag:s8] =	ssyncadd.s32 $0xFFFFD800  }
0xca: {  	_ =	swait.ge [sflag:s19], $0x500  }
0xcb: {  	[sflag:s19] =	ssyncset.done $0x0  }
0xcc: {  	p0 =	sne.s32 s25, $0x17D40;
	s20 =	rddreg [dreg:$0x9];
	[sflag:s19] =	ssyncadd.s32 $0xFFFFFB00  }
0xcd: {  	[spmem:s20] =	stream.linear.scatter [tilespmem:s10], [sflag:$0xA], $0x2800, $0x38;
	[tilespmem:$0x1F400] =	vst v63  }
.Ltmp0:
0xce: {  	s25 =	sadd.s32 $0x640, s25;
	(pc) =	sbr.rel @p0 .LBB2_2-.Ltmp0, $4  }
0xcf: {  	s30 =	smov.u32 s28;
	s21 =	simm.s32 $0x6400;
	_ =	swait.ge [sflag:s13], $0x2800  }
0xd0: {  	s22 =	simm.s32 $0x8C00;
	s0 =	sadd.s32 $0x410, s0;
	[sflag:s13] =	ssyncset.done $0x0  }
0xd1: {  	s28 =	sadd.s32 $0x1900, s28;
	s5 =	simm.s32 $0xB400;
	[sflag:s13] =	ssyncadd.s32 $0xFFFFD800  }
0xd2: {  	[hbm:s30], [sflag:s26] =	dma.local [spmem:s4], $0x500  }
0xd3: {  	s6 =	simm.s32 $0xDC00;
	s30 =	simm.s32 $0x1  }
0xd4: {  	[tilespmem:s6], [sflag:$0x4] =	stream.indirect.gather [hbm4b:s1+s23], $0x80, s0, s23, $0xb8;
	[tilespmem:$0x1F400] =	vst v63  }
0xd5: {  	_ =	swait.ge [sflag:s30], $0x2800  }
0xd6: {  	[sflag:s30] =	ssyncset.done $0x0  }
0xd7: {  	[sflag:s30] =	ssyncadd.s32 $0xFFFFD800  }
0xd8: {  	_ =	swait.ge [sflag:s14], $0x500  }
0xd9: {  	[sflag:s14] =	ssyncset.done $0x0  }
0xda: {  	s7 =	rddreg [dreg:$0x5];
	[sflag:s14] =	ssyncadd.s32 $0xFFFFFB00  }
0xdb: {  	[spmem:s7] =	stream.linear.scatter [tilespmem:s21], [sflag:$0x6], $0x2800, $0x38;
	[tilespmem:$0x1F400] =	vst v63  }
0xdc: {  	_ =	swait.ge [sflag:s15], $0x2800  }
0xdd: {  	s10 =	simm.s32 $0x63B0;
	s20 =	simm.s32 $0x2;
	[sflag:s15] =	ssyncset.done $0x0  }
0xde: {  	s7 =	simm.s32 $0x10400;
	s8 =	rddreg [dreg:$0xf];
	[sflag:s15] =	ssyncadd.s32 $0xFFFFD800  }
0xdf: {  	[hbm:s8], [sflag:s9] =	dma.local [spmem:s11], $0x500  }
0xe0: {  	[tilespmem:s7], [sflag:$0x5] =	stream.indirect.gather [hbm4b:s1+s23], $0x80, s10, s23, $0xb8;
	[tilespmem:$0x1F400] =	vst v63  }
0xe1: {  	_ =	swait.ge [sflag:s20], $0x2800  }
0xe2: {  	[sflag:s20] =	ssyncset.done $0x0  }
0xe3: {  	[sflag:s20] =	ssyncadd.s32 $0xFFFFD800  }
0xe4: {  	_ =	swait.ge [sflag:s16], $0x500  }
0xe5: {  	[sflag:s16] =	ssyncset.done $0x0  }
0xe6: {  	s25 =	simm.s32 $0x6;
	s21 =	rddreg [dreg:$0x6];
	[sflag:s16] =	ssyncadd.s32 $0xFFFFFB00  }
0xe7: {  	[spmem:s21] =	stream.linear.scatter [tilespmem:s22], [sflag:$0x7], $0x2800, $0x38;
	[tilespmem:$0x1F400] =	vst v63  }
0xe8: {  	_ =	swait.ge [sflag:s25], $0x2800  }
0xe9: {  	[sflag:s25] =	ssyncset.done $0x0  }
0xea: {  	s28 =	rddreg [dreg:$0x10];
	[sflag:s25] =	ssyncadd.s32 $0xFFFFD800  }
0xeb: {  	[hbm:s28], [sflag:s12] =	dma.local [spmem:s29], $0x500  }
0xec: {  	s29 =	simm.s32 $0x3  }
0xed: {  	_ =	swait.ge [sflag:s29], $0x2800  }
0xee: {  	[sflag:s29] =	ssyncset.done $0x0  }
0xef: {  	[sflag:s29] =	ssyncadd.s32 $0xFFFFD800  }
0xf0: {  	_ =	swait.ge [sflag:s17], $0x500  }
0xf1: {  	[sflag:s17] =	ssyncset.done $0x0  }
0xf2: {  	s8 =	simm.s32 $0x7;
	s30 =	rddreg [dreg:$0x7];
	[sflag:s17] =	ssyncadd.s32 $0xFFFFFB00  }
0xf3: {  	[spmem:s30] =	stream.linear.scatter [tilespmem:s5], [sflag:$0x8], $0x2800, $0x38;
	[tilespmem:$0x1F400] =	vst v63  }
0xf4: {  	_ =	swait.ge [sflag:s8], $0x2800  }
0xf5: {  	[sflag:s8] =	ssyncset.done $0x0  }
0xf6: {  	s12 =	simm.s32 $0x4;
	s10 =	rddreg [dreg:$0x11];
	[sflag:s8] =	ssyncadd.s32 $0xFFFFD800  }
0xf7: {  	[hbm:s10], [sflag:s24] =	dma.local [spmem:s2], $0x500  }
0xf8: {  	_ =	swait.ge [sflag:s12], $0x2800  }
0xf9: {  	[sflag:s12] =	ssyncset.done $0x0  }
0xfa: {  	[sflag:s12] =	ssyncadd.s32 $0xFFFFD800  }
0xfb: {  	_ =	swait.ge [sflag:s18], $0x500  }
0xfc: {  	[sflag:s18] =	ssyncset.done $0x0  }
0xfd: {  	s21 =	simm.s32 $0x8;
	s20 =	rddreg [dreg:$0x8];
	[sflag:s18] =	ssyncadd.s32 $0xFFFFFB00  }
0xfe: {  	[spmem:s20] =	stream.linear.scatter [tilespmem:s6], [sflag:$0x9], $0x2800, $0x38;
	[tilespmem:$0x1F400] =	vst v63  }
0xff: {  	_ =	swait.ge [sflag:s21], $0x2800  }
0x100: {  	[sflag:s21] =	ssyncset.done $0x0  }
0x101: {  	s24 =	simm.s32 $0x5;
	s22 =	rddreg [dreg:$0x12];
	[sflag:s21] =	ssyncadd.s32 $0xFFFFD800  }
0x102: {  	[hbm:s22], [sflag:s31] =	dma.local [spmem:s3], $0x500  }
0x103: {  	_ =	swait.ge [sflag:s24], $0x2800  }
0x104: {  	[sflag:s24] =	ssyncset.done $0x0  }
0x105: {  	[sflag:s24] =	ssyncadd.s32 $0xFFFFD800  }
0x106: {  	_ =	swait.ge [sflag:s19], $0x500  }
0x107: {  	[sflag:s19] =	ssyncset.done $0x0  }
0x108: {  	s25 =	rddreg [dreg:$0x9];
	[sflag:s19] =	ssyncadd.s32 $0xFFFFFB00  }
0x109: {  	[spmem:s25] =	stream.linear.scatter [tilespmem:s7], [sflag:$0xA], $0x2800, $0x38;
	[tilespmem:$0x1F400] =	vst v63  }
0x10a: {  	_ =	swait.ge [sflag:s13], $0x2800  }
0x10b: {  	[sflag:s13] =	ssyncset.done $0x0  }
0x10c: {  	s28 =	rddreg [dreg:$0x13];
	[sflag:s13] =	ssyncadd.s32 $0xFFFFD800  }
0x10d: {  	[hbm:s28], [sflag:s26] =	dma.local [spmem:s4], $0x500  }
0x10e: {  	_ =	swait.ge [sflag:s15], $0x2800  }
0x10f: {  	[sflag:s15] =	ssyncset.done $0x0  }
0x110: {  	s29 =	rddreg [dreg:$0x14];
	[sflag:s15] =	ssyncadd.s32 $0xFFFFD800  }
0x111: {  	[hbm:s29], [sflag:s9] =	dma.local [spmem:s11], $0x500  }
0x112: {  	_ =	swait.ge [sflag:s14], $0x500  }
0x113: {  	[sflag:s14] =	ssyncset.done $0x0  }
0x114: {  	[sflag:s14] =	ssyncadd.s32 $0xFFFFFB00  }
0x115: {  	_ =	swait.ge [sflag:s16], $0x500  }
0x116: {  	[sflag:s16] =	ssyncset.done $0x0  }
0x117: {  	[sflag:s16] =	ssyncadd.s32 $0xFFFFFB00  }
0x118: {  	_ =	swait.ge [sflag:s17], $0x500  }
0x119: {  	[sflag:s17] =	ssyncset.done $0x0  }
0x11a: {  	[sflag:s17] =	ssyncadd.s32 $0xFFFFFB00  }
0x11b: {  	_ =	swait.ge [sflag:s18], $0x500  }
0x11c: {  	[sflag:s18] =	ssyncset.done $0x0  }
0x11d: {  	[sflag:s18] =	ssyncadd.s32 $0xFFFFFB00  }
0x11e: {  	_ =	swait.ge [sflag:s19], $0x500  }
0x11f: {  	s30 =	rddreg [dreg:$0x17]  }
0x120: {  	s31 =	rddreg [dreg:$0x15];
	s5 =	sadd.s32 $0x1, s30  }
0x121: {  	p0 =	sne.s32 s5, s31  }
.Ltmp1:
0x122: {  	_ = 	snop;
	(pc) =	sbr.rel @p0 .LBB2_1-.Ltmp1, $3  }
0x123: {  	_ =	sdelay $0x1  }
0x124: {  	[sflag:s19] =	ssyncset.done $0x0  }
0x125: {  	[sflag:s19] =	ssyncadd.s32 $0xFFFFFB00  }
0x126: {  	_ =	sfence.sel $0x180000  }
0x127: {  	[bflag:$0x0] =	sbarrier.arrive $0xFFFF  }
0x128: {  	_ =	strace $0x90000047  }
0x129: {  	s0 =	stileid.u32;
	[bflag:$0x2] =	sbarrier.arrive $0xFFFF  }
0x12a: {  	p0 =	sne.s32 s0, $0x0;
	s0 =	rddreg [dreg:$0x4]  }
0x12b: {  	s0 =	sadd.s32 @!p0 $0x100000, s0  }
0x12c: {  	[sflag:s0] =	ssyncadd.tile.s32 @!p0 $0x1;
	_ =	shalt  }
.Lfunc_end2:
_tile_overlayer_lowered:
.L_overlay_start_2:
0x12d: {  	(tag) =	ssettag $0x2  }
0x12e: {  	s0 =	rddreg [dreg:$0x0];
	s2 =	stileid.u32  }
0x12f: {  	s1 =	rddreg [dreg:$0x1];
	p0 =	sne.s32 s2, $0x0  }
0x130: {  	s3 =	rddreg [dreg:$0x2];
	[bflag:$0x3] =	sbarrier.arrive $0xFFFF;
	s2 =	simm.s32 @!p0 $0x1C10  }
0x131: {  	[timem:s3], [sflag:s2] =	dma.local @!p0 [hbm:s0], s1  }
0x132: {  	s0 =	simm.s32 @!p0 $0x10  }
0x133: {  	_ =	swait.ge @!p0 [sflag:s0], s1  }
0x134: {  	s1 =	ssub.s32 @!p0 $0x0, s1;
	[sflag:s0] =	ssyncset.done @!p0 $0x0  }
0x135: {  	[sflag:s0] =	ssyncadd.s32 @!p0 s1  }
0x136: {  	[bflag:$0x3] =	sbarrier.arrive $0xFFFF  }
0x137: {  	_ =	shalt  }

</sc_bundles>
